<compile_context>
chip_gen: v7x
topology: tpu7x:2x2x1
jax: 0.10.2.dev20260603
libtpu: 0.0.44.dev20260713+nightly
codegen_flags: <defaults>
</compile_context>

<pallas_src>
import functools

import jax
import jax.numpy as jnp
from jax import lax
from jax.experimental import pallas as pl
from jax.experimental.pallas import tpu as pltpu
from jax.experimental.pallas import tpu_sc as plsc

_NC = 2
_NS = 16
_NW = _NC * _NS


def _sc_gather(weight, indices):
    k_short = indices.shape[0]
    d = weight.shape[1]
    rows_per_w = k_short // _NW
    chunk = min(rows_per_w, 128)
    mesh = plsc.VectorSubcoreMesh(core_axis_name="c", subcore_axis_name="s")

    @functools.partial(
        pl.kernel,
        mesh=mesh,
        out_type=jax.ShapeDtypeStruct((k_short, d), jnp.float32),
        scratch_types=[
            pltpu.VMEM((rows_per_w,), jnp.int32),
            pltpu.VMEM((chunk, d), jnp.float32),
            pltpu.VMEM((chunk, d), jnp.float32),
            pltpu.SemaphoreType.DMA,
            pltpu.SemaphoreType.DMA,
            pltpu.SemaphoreType.DMA,
            pltpu.SemaphoreType.DMA,
        ],
    )
    def gather_kernel(w_hbm, idx_hbm, w_out, idx_v, rows_v0, rows_v1,
                      gsem0, gsem1, osem0, osem1):
        rows_b = (rows_v0, rows_v1)
        gsem = (gsem0, gsem1)
        osem = (osem0, osem1)
        wid = lax.axis_index("s") * _NC + lax.axis_index("c")
        base = wid * rows_per_w
        pltpu.sync_copy(idx_hbm.at[pl.ds(base, rows_per_w)], idx_v)

        n_chunks = rows_per_w // chunk

        def fire_gather(c, b):
            return pltpu.async_copy(
                w_hbm.at[idx_v.at[pl.ds(c * chunk, chunk)]], rows_b[b],
                gsem[b])

        def fire_out(c, b):
            return pltpu.async_copy(
                rows_b[b], w_out.at[pl.ds(base + c * chunk, chunk)], osem[b])

        pending_g = {0: fire_gather(0, 0)}
        pending_o = {}
        for c in range(n_chunks):
            b = c & 1
            if c + 1 < n_chunks:
                if c >= 1:
                    pending_o.pop(c - 1).wait()
                pending_g[c + 1] = fire_gather(c + 1, 1 - b)
            pending_g.pop(c).wait()
            pending_o[c] = fire_out(c, b)
        for c in sorted(pending_o):
            pending_o.pop(c).wait()

    return gather_kernel(weight, indices)


def _tc_body(n_j, d, x_ref, w_ref, at_ref, b_ref, o_ref):
    att = at_ref[...]
    m = jnp.max(att, axis=1, keepdims=True)
    e = jnp.exp(att - m)
    a = e / jnp.sum(e, axis=1, keepdims=True)
    w_f = w_ref[...]
    acc = jnp.broadcast_to(b_ref[...], o_ref.shape)
    for j in range(n_j):
        wj = (w_f * a[:, j:j + 1]).astype(jnp.bfloat16)
        xj = x_ref[:, j * d:(j + 1) * d]
        acc = acc + lax.dot_general(xj, wj, (((1,), (1,)), ((), ())),
                                    preferred_element_type=jnp.float32)
    o_ref[...] = acc


def _tc_matmul(x, w_g, att_g, bias_r, kblk=2048):
    bsz, three_i = x.shape
    k_short, d = w_g.shape
    n_j = three_i // d

    return pl.pallas_call(
        functools.partial(_tc_body, n_j, d),
        grid=(k_short // kblk,),
        in_specs=[
            pl.BlockSpec((bsz, three_i), lambda i: (0, 0)),
            pl.BlockSpec((kblk, d), lambda i: (i, 0)),
            pl.BlockSpec((kblk, n_j), lambda i: (i, 0)),
            pl.BlockSpec((1, kblk), lambda i: (0, i)),
        ],
        out_specs=pl.BlockSpec((bsz, kblk), lambda i: (0, i)),
        out_shape=jax.ShapeDtypeStruct((bsz, k_short), jnp.float32),
    )(x, w_g, att_g, bias_r)


def kernel(x, indices, weight, bias, attention_weights):
    k_short = indices.shape[0]
    w_g = _sc_gather(weight, indices)
    idx_dep = indices + (w_g[0, 0] * 0.0).astype(jnp.int32)
    att_g = attention_weights.at[idx_dep].get(
        mode="promise_in_bounds")
    bias_r = bias.at[indices].get(
        mode="promise_in_bounds").reshape(1, k_short)
    return _tc_matmul(x.astype(jnp.bfloat16), w_g, att_g, bias_r)

# --- scband reference (transcript-rebuilt; emitter-appended) ---
"""Pipeline reference for scband-linear-chunk-54820962566193 (READ-ONLY COPY).

The authoritative reference and input builder live on the scoring server;
editing this copy changes nothing except your own understanding.
"""

import jax, jax.numpy as jnp
import numpy as np

INPUT_SIZE = 256
OUTPUT_SIZE = 100000
BATCH = 1024
K_SHORT = 16384


def setup_inputs(seed: int = 0) -> dict:
    key = jax.random.key(seed)
    k1, k2, k3, k4, k5 = jax.random.split(key, 5)
    # forward input tuple: (x, indices). Note x last dim must be 3*input_size
    # because the module views the per-label weight [K,3,I] as [K, 3I].
    x = jax.random.normal(k1, (BATCH, 3 * INPUT_SIZE), dtype=jnp.float32)
    indices = jax.random.randint(k2, (K_SHORT,), 0, OUTPUT_SIZE, dtype=jnp.int32)
    # parameters, initialized as in reset_parameters()
    stdv = 1.0 / np.sqrt(INPUT_SIZE)
    weight = jax.random.uniform(k3, (OUTPUT_SIZE, INPUT_SIZE), minval=-stdv, maxval=stdv, dtype=jnp.float32)
    bias = jax.random.uniform(k4, (OUTPUT_SIZE,), minval=-stdv, maxval=stdv, dtype=jnp.float32)
    attention_weights = jax.random.normal(k5, (OUTPUT_SIZE, 3), dtype=jnp.float32)
    return {"x": x, "indices": indices, "weight": weight, "bias": bias, "attention_weights": attention_weights}


def reference(x, indices, weight, bias, attention_weights):
    # Branch: input[1] is a 1-D shortlist of label ids (len(input[1].shape) == 1)
    w_rows = jnp.take(weight, indices, axis=0)                      # [K, I]  gather
    att = jnp.take(attention_weights, indices, axis=0)              # [K, 3]  gather
    a = jax.nn.softmax(att, axis=1)                                 # softmax(dim=1)
    w = w_rows[:, None, :] * a[:, :, None]                          # [K, 3, I]
    w2 = w.reshape(-1, x.shape[-1])                                 # view(-1, 3I) -> [K, 3I]
    b = jnp.take(bias, indices).reshape(-1)                         # [K]
    out = x @ w2.T + b                                              # [B, K]
    return out

if __name__ == "__main__":
    import jax
    _d = setup_inputs()
    print(jax.jit(kernel)(*tuple(_d.values())))

</pallas_src>

<mosaic_0001>
#map = affine_map<(d0, d1) -> (0, 0)>
#map1 = affine_map<(d0, d1) -> (0)>
module attributes {stable_mosaic.version = 14 : i64} {
  func.func @gather_kernel(%arg0: i32, %arg1: i32, %arg2: memref<100000x256xf32, #tpu.memory_space<hbm>>, %arg3: memref<16384xi32, #tpu.memory_space<hbm>>, %arg4: memref<16384x256xf32, #tpu.memory_space<hbm>>, %arg5: memref<512xi32, #tpu.memory_space<vmem>>, %arg6: memref<128x256xf32, #tpu.memory_space<vmem>>, %arg7: memref<128x256xf32, #tpu.memory_space<vmem>>, %arg8: memref<!tpu.dma_semaphore, #tpu.memory_space<semaphore_mem>>, %arg9: memref<!tpu.dma_semaphore, #tpu.memory_space<semaphore_mem>>, %arg10: memref<!tpu.dma_semaphore, #tpu.memory_space<semaphore_mem>>, %arg11: memref<!tpu.dma_semaphore, #tpu.memory_space<semaphore_mem>>) attributes {dimension_semantics = [#tpu.dimension_semantics<core_parallel>, #tpu.dimension_semantics<subcore_parallel>], iteration_bounds = array<i64: 2, 16>, scalar_prefetch = 0 : i64, scratch_operands = 7 : i64, tpu.core_type = #tpu.core_type<sc_vector_subcore>, window_params = [{transform_indices = #map}, {transform_indices = #map1}, {transform_indices = #map}]} {
    %mul3A = arith.constant 2 : i32
    %mul3A_0 = arith.muli %arg1, %mul3A : i32
    %add3A = arith.addi %mul3A_0, %arg0 : i32
    %mul3A_1 = arith.constant 512 : i32
    %mul3A_2 = arith.muli %add3A, %mul3A_1 : i32
    "tpu.region"() ({
      %run_scoped3A = tpu.sem_alloc : memref<!tpu.dma_semaphore, #tpu.memory_space<semaphore_mem>>
      %dma_start3A_81 = tpu.memref_slice %arg3[%mul3A_2] : memref<16384xi32, #tpu.memory_space<hbm>> -> memref<512xi32, #tpu.memory_space<hbm>>
      %dma_start3A_82 = tpu.memref_slice %arg3[%mul3A_2] : memref<16384xi32, #tpu.memory_space<hbm>> -> memref<512xi32, #tpu.memory_space<hbm>>
      tpu.enqueue_dma source(%dma_start3A_82 : memref<512xi32, #tpu.memory_space<hbm>>) target(%arg5 : memref<512xi32, #tpu.memory_space<vmem>>) target_semaphore(%run_scoped3A : memref<!tpu.dma_semaphore, #tpu.memory_space<semaphore_mem>>)
      %dma_wait3A_83 = tpu.memref_slice %arg3[%mul3A_2] : memref<16384xi32, #tpu.memory_space<hbm>> -> memref<512xi32, #tpu.memory_space<hbm>>
      %dma_wait3A_84 = tpu.memref_slice %arg3[%mul3A_2] : memref<16384xi32, #tpu.memory_space<hbm>> -> memref<512xi32, #tpu.memory_space<hbm>>
      tpu.wait_dma2 semaphore(%run_scoped3A : memref<!tpu.dma_semaphore, #tpu.memory_space<semaphore_mem>>) src(%dma_wait3A_84 : memref<512xi32, #tpu.memory_space<hbm>>) dst(%arg5 : memref<512xi32, #tpu.memory_space<vmem>>)
      tpu.yield
    }) : () -> ()
    %dma_start3A = arith.constant 0 : i32
    %dma_start3A_3 = tpu.memref_slice %arg5[%dma_start3A] : memref<512xi32, #tpu.memory_space<vmem>> -> memref<128xi32, #tpu.memory_space<vmem>>
    %dma_start3A_4 = arith.constant 0 : i32
    %dma_start3A_5 = arith.constant 0 : i32
    %dma_start3A_6 = tpu.memref_slice %arg2[%dma_start3A_4, %dma_start3A_5] : memref<100000x256xf32, #tpu.memory_space<hbm>> -> memref<100000x256xf32, #tpu.memory_space<hbm>>
    tpu.enqueue_indirect_dma source(%dma_start3A_6 : memref<100000x256xf32, #tpu.memory_space<hbm>>) target(%arg6 : memref<128x256xf32, #tpu.memory_space<vmem>>) offsets(%dma_start3A_3 : memref<128xi32, #tpu.memory_space<vmem>>) semaphore(%arg8 : memref<!tpu.dma_semaphore, #tpu.memory_space<semaphore_mem>>)
    %dma_start3A_7 = arith.constant 128 : i32
    %dma_start3A_8 = tpu.memref_slice %arg5[%dma_start3A_7] : memref<512xi32, #tpu.memory_space<vmem>> -> memref<128xi32, #tpu.memory_space<vmem>>
    %dma_start3A_9 = arith.constant 0 : i32
    %dma_start3A_10 = arith.constant 0 : i32
    %dma_start3A_11 = tpu.memref_slice %arg2[%dma_start3A_9, %dma_start3A_10] : memref<100000x256xf32, #tpu.memory_space<hbm>> -> memref<100000x256xf32, #tpu.memory_space<hbm>>
    tpu.enqueue_indirect_dma source(%dma_start3A_11 : memref<100000x256xf32, #tpu.memory_space<hbm>>) target(%arg7 : memref<128x256xf32, #tpu.memory_space<vmem>>) offsets(%dma_start3A_8 : memref<128xi32, #tpu.memory_space<vmem>>) semaphore(%arg9 : memref<!tpu.dma_semaphore, #tpu.memory_space<semaphore_mem>>)
    %dma_wait3A = arith.constant 0 : i32
    %dma_wait3A_12 = tpu.memref_slice %arg5[%dma_wait3A] : memref<512xi32, #tpu.memory_space<vmem>> -> memref<128xi32, #tpu.memory_space<vmem>>
    %dma_wait3A_13 = arith.constant 0 : i32
    %dma_wait3A_14 = arith.constant 0 : i32
    %dma_wait3A_15 = tpu.memref_slice %arg2[%dma_wait3A_13, %dma_wait3A_14] : memref<100000x256xf32, #tpu.memory_space<hbm>> -> memref<100000x256xf32, #tpu.memory_space<hbm>>
    tpu.wait_indirect_dma semaphore(%arg8 : memref<!tpu.dma_semaphore, #tpu.memory_space<semaphore_mem>>) src(%dma_wait3A_15 : memref<100000x256xf32, #tpu.memory_space<hbm>>) dst(%arg6 : memref<128x256xf32, #tpu.memory_space<vmem>>)
    %add3A_16 = arith.constant 0 : i32
    %add3A_17 = arith.addi %mul3A_2, %add3A_16 : i32
    %dma_start3A_18 = arith.constant 0 : i32
    %dma_start3A_19 = tpu.memref_slice %arg4[%add3A_17, %dma_start3A_18] : memref<16384x256xf32, #tpu.memory_space<hbm>> -> memref<128x256xf32, #tpu.memory_space<hbm>>
    %dma_start3A_20 = arith.constant 0 : i32
    %dma_start3A_21 = tpu.memref_slice %arg4[%add3A_17, %dma_start3A_20] : memref<16384x256xf32, #tpu.memory_space<hbm>> -> memref<128x256xf32, #tpu.memory_space<hbm>>
    tpu.enqueue_dma source(%arg6 : memref<128x256xf32, #tpu.memory_space<vmem>>) target(%dma_start3A_21 : memref<128x256xf32, #tpu.memory_space<hbm>>) target_semaphore(%arg10 : memref<!tpu.dma_semaphore, #tpu.memory_space<semaphore_mem>>)
    %dma_wait3A_22 = arith.constant 0 : i32
    %dma_wait3A_23 = tpu.memref_slice %arg4[%add3A_17, %dma_wait3A_22] : memref<16384x256xf32, #tpu.memory_space<hbm>> -> memref<128x256xf32, #tpu.memory_space<hbm>>
    %dma_wait3A_24 = arith.constant 0 : i32
    %dma_wait3A_25 = tpu.memref_slice %arg4[%add3A_17, %dma_wait3A_24] : memref<16384x256xf32, #tpu.memory_space<hbm>> -> memref<128x256xf32, #tpu.memory_space<hbm>>
    tpu.wait_dma2 semaphore(%arg10 : memref<!tpu.dma_semaphore, #tpu.memory_space<semaphore_mem>>) src(%arg6 : memref<128x256xf32, #tpu.memory_space<vmem>>) dst(%dma_wait3A_25 : memref<128x256xf32, #tpu.memory_space<hbm>>)
    %dma_start3A_26 = arith.constant 256 : i32
    %dma_start3A_27 = tpu.memref_slice %arg5[%dma_start3A_26] : memref<512xi32, #tpu.memory_space<vmem>> -> memref<128xi32, #tpu.memory_space<vmem>>
    %dma_start3A_28 = arith.constant 0 : i32
    %dma_start3A_29 = arith.constant 0 : i32
    %dma_start3A_30 = tpu.memref_slice %arg2[%dma_start3A_28, %dma_start3A_29] : memref<100000x256xf32, #tpu.memory_space<hbm>> -> memref<100000x256xf32, #tpu.memory_space<hbm>>
    tpu.enqueue_indirect_dma source(%dma_start3A_30 : memref<100000x256xf32, #tpu.memory_space<hbm>>) target(%arg6 : memref<128x256xf32, #tpu.memory_space<vmem>>) offsets(%dma_start3A_27 : memref<128xi32, #tpu.memory_space<vmem>>) semaphore(%arg8 : memref<!tpu.dma_semaphore, #tpu.memory_space<semaphore_mem>>)
    %dma_wait3A_31 = arith.constant 128 : i32
    %dma_wait3A_32 = tpu.memref_slice %arg5[%dma_wait3A_31] : memref<512xi32, #tpu.memory_space<vmem>> -> memref<128xi32, #tpu.memory_space<vmem>>
    %dma_wait3A_33 = arith.constant 0 : i32
    %dma_wait3A_34 = arith.constant 0 : i32
    %dma_wait3A_35 = tpu.memref_slice %arg2[%dma_wait3A_33, %dma_wait3A_34] : memref<100000x256xf32, #tpu.memory_space<hbm>> -> memref<100000x256xf32, #tpu.memory_space<hbm>>
    tpu.wait_indirect_dma semaphore(%arg9 : memref<!tpu.dma_semaphore, #tpu.memory_space<semaphore_mem>>) src(%dma_wait3A_35 : memref<100000x256xf32, #tpu.memory_space<hbm>>) dst(%arg7 : memref<128x256xf32, #tpu.memory_space<vmem>>)
    %add3A_36 = arith.constant 128 : i32
    %add3A_37 = arith.addi %mul3A_2, %add3A_36 : i32
    %dma_start3A_38 = arith.constant 0 : i32
    %dma_start3A_39 = tpu.memref_slice %arg4[%add3A_37, %dma_start3A_38] : memref<16384x256xf32, #tpu.memory_space<hbm>> -> memref<128x256xf32, #tpu.memory_space<hbm>>
    %dma_start3A_40 = arith.constant 0 : i32
    %dma_start3A_41 = tpu.memref_slice %arg4[%add3A_37, %dma_start3A_40] : memref<16384x256xf32, #tpu.memory_space<hbm>> -> memref<128x256xf32, #tpu.memory_space<hbm>>
    tpu.enqueue_dma source(%arg7 : memref<128x256xf32, #tpu.memory_space<vmem>>) target(%dma_start3A_41 : memref<128x256xf32, #tpu.memory_space<hbm>>) target_semaphore(%arg11 : memref<!tpu.dma_semaphore, #tpu.memory_space<semaphore_mem>>)
    %dma_wait3A_42 = arith.constant 0 : i32
    %dma_wait3A_43 = tpu.memref_slice %arg4[%add3A_37, %dma_wait3A_42] : memref<16384x256xf32, #tpu.memory_space<hbm>> -> memref<128x256xf32, #tpu.memory_space<hbm>>
    %dma_wait3A_44 = arith.constant 0 : i32
    %dma_wait3A_45 = tpu.memref_slice %arg4[%add3A_37, %dma_wait3A_44] : memref<16384x256xf32, #tpu.memory_space<hbm>> -> memref<128x256xf32, #tpu.memory_space<hbm>>
    tpu.wait_dma2 semaphore(%arg11 : memref<!tpu.dma_semaphore, #tpu.memory_space<semaphore_mem>>) src(%arg7 : memref<128x256xf32, #tpu.memory_space<vmem>>) dst(%dma_wait3A_45 : memref<128x256xf32, #tpu.memory_space<hbm>>)
    %dma_start3A_46 = arith.constant 384 : i32
    %dma_start3A_47 = tpu.memref_slice %arg5[%dma_start3A_46] : memref<512xi32, #tpu.memory_space<vmem>> -> memref<128xi32, #tpu.memory_space<vmem>>
    %dma_start3A_48 = arith.constant 0 : i32
    %dma_start3A_49 = arith.constant 0 : i32
    %dma_start3A_50 = tpu.memref_slice %arg2[%dma_start3A_48, %dma_start3A_49] : memref<100000x256xf32, #tpu.memory_space<hbm>> -> memref<100000x256xf32, #tpu.memory_space<hbm>>
    tpu.enqueue_indirect_dma source(%dma_start3A_50 : memref<100000x256xf32, #tpu.memory_space<hbm>>) target(%arg7 : memref<128x256xf32, #tpu.memory_space<vmem>>) offsets(%dma_start3A_47 : memref<128xi32, #tpu.memory_space<vmem>>) semaphore(%arg9 : memref<!tpu.dma_semaphore, #tpu.memory_space<semaphore_mem>>)
    %dma_wait3A_51 = arith.constant 256 : i32
    %dma_wait3A_52 = tpu.memref_slice %arg5[%dma_wait3A_51] : memref<512xi32, #tpu.memory_space<vmem>> -> memref<128xi32, #tpu.memory_space<vmem>>
    %dma_wait3A_53 = arith.constant 0 : i32
    %dma_wait3A_54 = arith.constant 0 : i32
    %dma_wait3A_55 = tpu.memref_slice %arg2[%dma_wait3A_53, %dma_wait3A_54] : memref<100000x256xf32, #tpu.memory_space<hbm>> -> memref<100000x256xf32, #tpu.memory_space<hbm>>
    tpu.wait_indirect_dma semaphore(%arg8 : memref<!tpu.dma_semaphore, #tpu.memory_space<semaphore_mem>>) src(%dma_wait3A_55 : memref<100000x256xf32, #tpu.memory_space<hbm>>) dst(%arg6 : memref<128x256xf32, #tpu.memory_space<vmem>>)
    %add3A_56 = arith.constant 256 : i32
    %add3A_57 = arith.addi %mul3A_2, %add3A_56 : i32
    %dma_start3A_58 = arith.constant 0 : i32
    %dma_start3A_59 = tpu.memref_slice %arg4[%add3A_57, %dma_start3A_58] : memref<16384x256xf32, #tpu.memory_space<hbm>> -> memref<128x256xf32, #tpu.memory_space<hbm>>
    %dma_start3A_60 = arith.constant 0 : i32
    %dma_start3A_61 = tpu.memref_slice %arg4[%add3A_57, %dma_start3A_60] : memref<16384x256xf32, #tpu.memory_space<hbm>> -> memref<128x256xf32, #tpu.memory_space<hbm>>
    tpu.enqueue_dma source(%arg6 : memref<128x256xf32, #tpu.memory_space<vmem>>) target(%dma_start3A_61 : memref<128x256xf32, #tpu.memory_space<hbm>>) target_semaphore(%arg10 : memref<!tpu.dma_semaphore, #tpu.memory_space<semaphore_mem>>)
    %dma_wait3A_62 = arith.constant 384 : i32
    %dma_wait3A_63 = tpu.memref_slice %arg5[%dma_wait3A_62] : memref<512xi32, #tpu.memory_space<vmem>> -> memref<128xi32, #tpu.memory_space<vmem>>
    %dma_wait3A_64 = arith.constant 0 : i32
    %dma_wait3A_65 = arith.constant 0 : i32
    %dma_wait3A_66 = tpu.memref_slice %arg2[%dma_wait3A_64, %dma_wait3A_65] : memref<100000x256xf32, #tpu.memory_space<hbm>> -> memref<100000x256xf32, #tpu.memory_space<hbm>>
    tpu.wait_indirect_dma semaphore(%arg9 : memref<!tpu.dma_semaphore, #tpu.memory_space<semaphore_mem>>) src(%dma_wait3A_66 : memref<100000x256xf32, #tpu.memory_space<hbm>>) dst(%arg7 : memref<128x256xf32, #tpu.memory_space<vmem>>)
    %add3A_67 = arith.constant 384 : i32
    %add3A_68 = arith.addi %mul3A_2, %add3A_67 : i32
    %dma_start3A_69 = arith.constant 0 : i32
    %dma_start3A_70 = tpu.memref_slice %arg4[%add3A_68, %dma_start3A_69] : memref<16384x256xf32, #tpu.memory_space<hbm>> -> memref<128x256xf32, #tpu.memory_space<hbm>>
    %dma_start3A_71 = arith.constant 0 : i32
    %dma_start3A_72 = tpu.memref_slice %arg4[%add3A_68, %dma_start3A_71] : memref<16384x256xf32, #tpu.memory_space<hbm>> -> memref<128x256xf32, #tpu.memory_space<hbm>>
    tpu.enqueue_dma source(%arg7 : memref<128x256xf32, #tpu.memory_space<vmem>>) target(%dma_start3A_72 : memref<128x256xf32, #tpu.memory_space<hbm>>) target_semaphore(%arg11 : memref<!tpu.dma_semaphore, #tpu.memory_space<semaphore_mem>>)
    %dma_wait3A_73 = arith.constant 0 : i32
    %dma_wait3A_74 = tpu.memref_slice %arg4[%add3A_57, %dma_wait3A_73] : memref<16384x256xf32, #tpu.memory_space<hbm>> -> memref<128x256xf32, #tpu.memory_space<hbm>>
    %dma_wait3A_75 = arith.constant 0 : i32
    %dma_wait3A_76 = tpu.memref_slice %arg4[%add3A_57, %dma_wait3A_75] : memref<16384x256xf32, #tpu.memory_space<hbm>> -> memref<128x256xf32, #tpu.memory_space<hbm>>
    tpu.wait_dma2 semaphore(%arg10 : memref<!tpu.dma_semaphore, #tpu.memory_space<semaphore_mem>>) src(%arg6 : memref<128x256xf32, #tpu.memory_space<vmem>>) dst(%dma_wait3A_76 : memref<128x256xf32, #tpu.memory_space<hbm>>)
    %dma_wait3A_77 = arith.constant 0 : i32
    %dma_wait3A_78 = tpu.memref_slice %arg4[%add3A_68, %dma_wait3A_77] : memref<16384x256xf32, #tpu.memory_space<hbm>> -> memref<128x256xf32, #tpu.memory_space<hbm>>
    %dma_wait3A_79 = arith.constant 0 : i32
    %dma_wait3A_80 = tpu.memref_slice %arg4[%add3A_68, %dma_wait3A_79] : memref<16384x256xf32, #tpu.memory_space<hbm>> -> memref<128x256xf32, #tpu.memory_space<hbm>>
    tpu.wait_dma2 semaphore(%arg11 : memref<!tpu.dma_semaphore, #tpu.memory_space<semaphore_mem>>) src(%arg7 : memref<128x256xf32, #tpu.memory_space<vmem>>) dst(%dma_wait3A_80 : memref<128x256xf32, #tpu.memory_space<hbm>>)
    return
  }
}

module attributes {stable_mosaic.version = 14 : i64} {
  func.func @_tc_body(%arg0: i32, %arg1: memref<1024x768xbf16, #tpu.memory_space<vmem>>, %arg2: memref<2048x256xf32, #tpu.memory_space<vmem>>, %arg3: memref<2048x3xf32, #tpu.memory_space<vmem>>, %arg4: memref<1x2048xf32, #tpu.memory_space<vmem>>, %arg5: memref<1024x2048xf32, #tpu.memory_space<vmem>>) attributes {dimension_semantics = [#tpu.dimension_semantics<arbitrary>], iteration_bounds = array<i64: 8>, scalar_prefetch = 0 : i64, scratch_operands = 0 : i64, tpu.core_type = #tpu.core_type<tc>, window_params = [{pipeline_mode = #tpu.pipeline_mode<synchronous>, transform_indices = @transform_0, window_bounds = array<i64: 1024, 768>}, {transform_indices = @transform_1, window_bounds = array<i64: 2048, 256>}, {transform_indices = @transform_2, window_bounds = array<i64: 2048, 3>}, {transform_indices = @transform_3, window_bounds = array<i64: 1, 2048>}, {transform_indices = @transform_4, window_bounds = array<i64: 1024, 2048>}]} {
    %get3A = arith.constant 0 : index
    %get3A_0 = arith.constant 0 : index
    %get3A_1 = vector.load %arg3[%get3A, %get3A_0] : memref<2048x3xf32, #tpu.memory_space<vmem>>, vector<2048x3xf32>
    %reduce_max3A = arith.constant dense<0xFF800000> : vector<2048xf32>
    %reduce_max3A_2 = vector.multi_reduction <maximumf>, %get3A_1, %reduce_max3A [1] : vector<2048x3xf32> to vector<2048xf32>
    %broadcast_in_dim3A = vector.shape_cast %reduce_max3A_2 : vector<2048xf32> to vector<2048x1xf32>
    %sub3A = vector.broadcast %broadcast_in_dim3A : vector<2048x1xf32> to vector<2048x3xf32>
    %sub3A_3 = arith.subf %get3A_1, %sub3A : vector<2048x3xf32>
    %exp3A = math.exp %sub3A_3 : vector<2048x3xf32>
    %reduce_sum3A = arith.constant dense<0.000000e+00> : vector<2048xf32>
    %reduce_sum3A_4 = vector.multi_reduction <add>, %exp3A, %reduce_sum3A [1] : vector<2048x3xf32> to vector<2048xf32>
    %broadcast_in_dim3A_5 = vector.shape_cast %reduce_sum3A_4 : vector<2048xf32> to vector<2048x1xf32>
    %div3A = vector.broadcast %broadcast_in_dim3A_5 : vector<2048x1xf32> to vector<2048x3xf32>
    %div3A_6 = arith.divf %exp3A, %div3A : vector<2048x3xf32>
    %get3A_7 = arith.constant 0 : index
    %get3A_8 = arith.constant 0 : index
    %get3A_9 = vector.load %arg2[%get3A_7, %get3A_8] : memref<2048x256xf32, #tpu.memory_space<vmem>>, vector<2048x256xf32>
    %get3A_10 = arith.constant 0 : index
    %get3A_11 = arith.constant 0 : index
    %get3A_12 = vector.load %arg4[%get3A_10, %get3A_11] : memref<1x2048xf32, #tpu.memory_space<vmem>>, vector<1x2048xf32>
    %broadcast_in_dim3A_13 = vector.shape_cast %get3A_12 : vector<1x2048xf32> to vector<1x2048xf32>
    %broadcast_in_dim3A_14 = vector.broadcast %broadcast_in_dim3A_13 : vector<1x2048xf32> to vector<1024x2048xf32>
    %slice3A = vector.extract_strided_slice %div3A_6 {offsets = [0, 0], sizes = [2048, 1], strides = [1, 1]} : vector<2048x3xf32> to vector<2048x1xf32>
    %mul3A = vector.broadcast %slice3A : vector<2048x1xf32> to vector<2048x256xf32>
    %mul3A_15 = arith.mulf %get3A_9, %mul3A : vector<2048x256xf32>
    %convert_element_type3A = arith.truncf %mul3A_15 : vector<2048x256xf32> to vector<2048x256xbf16>
    %get3A_16 = arith.constant 0 : index
    %get3A_17 = arith.constant 0 : index
    %get3A_18 = vector.load %arg1[%get3A_16, %get3A_17] : memref<1024x768xbf16, #tpu.memory_space<vmem>>, vector<1024x256xbf16>
    %dot_general3A = arith.constant dense<0.000000e+00> : vector<1024x2048xf32>
    %dot_general3A_19 = tpu.matmul %get3A_18, %convert_element_type3A, %dot_general3A {dimension_numbers = #tpu.dot_dimension_numbers<[1], [1], [0], [0], [0, 0, 1, 0], [], []>, transpose_lhs_hint = false} : vector<1024x256xbf16>, vector<2048x256xbf16>, vector<1024x2048xf32> -> vector<1024x2048xf32>
    %add3A = arith.addf %broadcast_in_dim3A_14, %dot_general3A_19 : vector<1024x2048xf32>
    %slice3A_20 = vector.extract_strided_slice %div3A_6 {offsets = [0, 1], sizes = [2048, 1], strides = [1, 1]} : vector<2048x3xf32> to vector<2048x1xf32>
    %mul3A_21 = vector.broadcast %slice3A_20 : vector<2048x1xf32> to vector<2048x256xf32>
    %mul3A_22 = arith.mulf %get3A_9, %mul3A_21 : vector<2048x256xf32>
    %convert_element_type3A_23 = arith.truncf %mul3A_22 : vector<2048x256xf32> to vector<2048x256xbf16>
    %get3A_24 = arith.constant 0 : index
    %get3A_25 = arith.constant 256 : index
    %get3A_26 = vector.load %arg1[%get3A_24, %get3A_25] : memref<1024x768xbf16, #tpu.memory_space<vmem>>, vector<1024x256xbf16>
    %dot_general3A_27 = arith.constant dense<0.000000e+00> : vector<1024x2048xf32>
    %dot_general3A_28 = tpu.matmul %get3A_26, %convert_element_type3A_23, %dot_general3A_27 {dimension_numbers = #tpu.dot_dimension_numbers<[1], [1], [0], [0], [0, 0, 1, 0], [], []>, transpose_lhs_hint = false} : vector<1024x256xbf16>, vector<2048x256xbf16>, vector<1024x2048xf32> -> vector<1024x2048xf32>
    %add3A_29 = arith.addf %add3A, %dot_general3A_28 : vector<1024x2048xf32>
    %slice3A_30 = vector.extract_strided_slice %div3A_6 {offsets = [0, 2], sizes = [2048, 1], strides = [1, 1]} : vector<2048x3xf32> to vector<2048x1xf32>
    %mul3A_31 = vector.broadcast %slice3A_30 : vector<2048x1xf32> to vector<2048x256xf32>
    %mul3A_32 = arith.mulf %get3A_9, %mul3A_31 : vector<2048x256xf32>
    %convert_element_type3A_33 = arith.truncf %mul3A_32 : vector<2048x256xf32> to vector<2048x256xbf16>
    %get3A_34 = arith.constant 0 : index
    %get3A_35 = arith.constant 512 : index
    %get3A_36 = vector.load %arg1[%get3A_34, %get3A_35] : memref<1024x768xbf16, #tpu.memory_space<vmem>>, vector<1024x256xbf16>
    %dot_general3A_37 = arith.constant dense<0.000000e+00> : vector<1024x2048xf32>
    %dot_general3A_38 = tpu.matmul %get3A_36, %convert_element_type3A_33, %dot_general3A_37 {dimension_numbers = #tpu.dot_dimension_numbers<[1], [1], [0], [0], [0, 0, 1, 0], [], []>, transpose_lhs_hint = false} : vector<1024x256xbf16>, vector<2048x256xbf16>, vector<1024x2048xf32> -> vector<1024x2048xf32>
    %add3A_39 = arith.addf %add3A_29, %dot_general3A_38 : vector<1024x2048xf32>
    %swap3A = arith.constant 0 : index
    %swap3A_40 = arith.constant 0 : index
    %swap3A_41 = vector.load %arg5[%swap3A, %swap3A_40] : memref<1024x2048xf32, #tpu.memory_space<vmem>>, vector<1024x2048xf32>
    tpu.vector_store %arg5[%swap3A, %swap3A_40], %add3A_39 {strides = array<i32>} : memref<1024x2048xf32, #tpu.memory_space<vmem>>, vector<1024x2048xf32>,
    return
  }
  func.func @transform_0(%arg0: i32) -> (i32, i32) {
    %c0_i32 = arith.constant 0 : i32
    %c0_i32_0 = arith.constant 0 : i32
    %c0_i32_1 = arith.constant 0 : i32
    return %c0_i32, %c0_i32_0 : i32, i32
  }
  func.func @transform_1(%arg0: i32) -> (i32, i32) {
    %c0_i32 = arith.constant 0 : i32
    %c0_i32_0 = arith.constant 0 : i32
    return %arg0, %c0_i32 : i32, i32
  }
  func.func @transform_2(%arg0: i32) -> (i32, i32) {
    %c0_i32 = arith.constant 0 : i32
    %c0_i32_0 = arith.constant 0 : i32
    return %arg0, %c0_i32 : i32, i32
  }
  func.func @transform_3(%arg0: i32) -> (i32, i32) {
    %c0_i32 = arith.constant 0 : i32
    %c0_i32_0 = arith.constant 0 : i32
    return %c0_i32, %arg0 : i32, i32
  }
  func.func @transform_4(%arg0: i32) -> (i32, i32) {
    %c0_i32 = arith.constant 0 : i32
    %c0_i32_0 = arith.constant 0 : i32
    return %c0_i32, %arg0 : i32, i32
  }
}

</mosaic_0001>

<sc_bundles>
// kernel: gather_offload_async_start.1
scs
__scs_entry_jumppad:
0x0: {  	(pc) =	sbr.rel $0x88, $3  }
0x1: {  	(tag) =	ssettag $0x0;
	lr =	simm.s32 $0x1  }
0x2: {  	[smem:$0x3F9C] =	sst lr;
	_ =	strace $0xD0000000  }
0x3: {  	_ = 	snop  }
0x4: {  	_ = 	snop  }
0x5: {  	_ = 	snop  }
0x6: {  	_ = 	snop  }
0x7: {  	_ = 	snop  }
__scs_overlays_trampoline_lowered:
0x8: {  	[smem:$0x3FAB] =	sst s0  }
0x9: {  	[smem:$0x3FAC] =	sst s1  }
0xa: {  	[smem:$0x3FAD] =	sst s2  }
0xb: {  	[smem:$0x3FAE] =	sst s3  }
0xc: {  	[smem:$0x3FAF] =	sst s4  }
0xd: {  	[smem:$0x3FB0] =	sst s5  }
0xe: {  	[smem:$0x3FB1] =	sst s6  }
0xf: {  	[smem:$0x3FB2] =	sst s7  }
0x10: {  	[smem:$0x3FB3] =	sst s8  }
0x11: {  	[smem:$0x3FB4] =	sst s9;
	s0 =	simm.s32 @!p0 $0x0  }
0x12: {  	s1 =	sld [smem:$0x3F9A];
	s0 =	simm.s32 @p0 $0x1  }
0x13: {  	[smem:$0x3FB5] =	sst s0;
	s0 =	simm.s32 @!p1 $0x0  }
0x14: {  	s2 =	sld [smem:$0x3F99];
	s0 =	simm.s32 @p1 $0x1  }
0x15: {  	[smem:$0x3FB6] =	sst s0;
	s0 =	simm.s32 @!p2 $0x0  }
0x16: {  	s3 =	sld [smem:$0x3FDB];
	s0 =	simm.s32 @p2 $0x1  }
0x17: {  	s4 =	simm.s32 $0x1BF5;
	[smem:$0x3FB8] =	sst s0  }
0x18: {  	s0 =	sld [smem:$0x3F9B];
	_ =	swait.ge [sflag:s4], $0x0  }
0x19: {  	s7 =	sld [smem:$0x3F9C]  }
0x1a: {  	s8 =	sadd.s32 $0xFFFFE003, lr  }
0x1b: {  	s9 =	sadd.s32 $0xFFFFFEF7, lr;
	s5 =	simm.s32 $0xFFFFFFFF;
	p2 =	slt.u32 s8, $0xFFFFF086  }
0x1c: {  	p1 =	slt.u32 s9, $0xF7A;
	s5 =	simm.s32 @!p2 $0x0  }
0x1d: {  	s5 =	simm.s32 @p1 $0x1;
	p0 =	seq.s32 s7, s2  }
0x1e: {  	s7 =	smul.u32 @!p0 $0xF7A, s2;
	p2 =	seq.s32 @!p0 s5, $0x0  }
0x1f: {  	s9 =	smul.u32 $0xF7A, s1;
	s8 =	simm.s32 @!p0 $0x1BF5;
	p2 =	por !p2, p0  }
0x20: {  	[sflag:s8] =	ssyncset.s32 @!p0 $0xFFFFF086;
	s6 =	sadd.s32 @!p0 s3, s7;
	s7 =	simm.s32 @!p0 $0x108  }
0x21: {  	s3 =	sadd.s32 s3, s9;
	s6 =	sadd.s32 @!p0 $0x88, s6;
	s7 =	simm.s32 @p2 $0x1082  }
0x22: {  	[simem:s7], [sflag:s8] =	dma.local @!p0 [hbm:s6], $0xF7A  }
0x23: {  	s9 =	sor.u32 $0xD0000000, s2;
	s6 =	simm.s32 $0x108;
	_ =	swait.ge @!p0 [sflag:s8], $0x0  }
0x24: {  	s3 =	sadd.s32 $0x88, s3;
	s6 =	simm.s32 @!p1 $0x1082;
	[sflag:s4] =	ssyncset.s32 $0xFFFFF086  }
0x25: {  	[simem:s6], [sflag:s4] =	dma.local [hbm:s3], $0xF7A  }
0x26: {  	[smem:$0x3F9C] =	sst s1;
	(tag) =	ssettag s2;
	_ =	strace s9  }
0x27: {  	s1 =	sld [smem:$0x3FAC]  }
0x28: {  	s2 =	sld [smem:$0x3FAD]  }
0x29: {  	s4 =	sld [smem:$0x3FAF]  }
0x2a: {  	p0 =	seq.s32 s5, $0x0;
	s5 =	sld [smem:$0x3FB0]  }
0x2b: {  	s6 =	sld [smem:$0x3FB1]  }
0x2c: {  	s7 =	sld [smem:$0x3FB2]  }
0x2d: {  	s3 =	simm.s32 $0x108;
	s8 =	sld [smem:$0x3FB3]  }
0x2e: {  	s3 =	simm.s32 @!p0 $0x1082;
	s9 =	sld [smem:$0x3FB4]  }
0x2f: {  	lr =	sadd.s32 s0, s3;
	s0 =	sld [smem:$0x3FAB]  }
0x30: {  	s3 =	sld [smem:$0x3FAE]  }
0x31: {  	[smem:$0x3FB7] =	sst s10  }
0x32: {  	s10 =	sld [smem:$0x3FB5];
	_ =	sdelay $0x3  }
0x33: {  	p0 =	seq.s32 s10, $0x1;
	s10 =	sld [smem:$0x3FB7];
	_ =	sdelay $0x3  }
0x34: {  	[smem:$0x3FB7] =	sst s10  }
0x35: {  	s10 =	sld [smem:$0x3FB6];
	_ =	sdelay $0x3  }
0x36: {  	p1 =	seq.s32 s10, $0x1;
	s10 =	sld [smem:$0x3FB7];
	_ =	sdelay $0x3  }
0x37: {  	[smem:$0x3FB7] =	sst s10  }
0x38: {  	s10 =	sld [smem:$0x3FB8]  }
0x39: {  	_ = 	snop;
	(pc) =	sbr.ind lr, $3  }
0x3a: {  	_ = 	snop  }
0x3b: {  	_ = 	snop  }
0x3c: {  	p2 =	seq.s32 s10, $0x1;
	s10 =	sld [smem:$0x3FB7]  }
0x3d: {  	_ =	shalt  }
0x3e: {  	_ =	shalt  }
0x3f: {  	_ =	shalt  }
0x40: {  	_ =	shalt  }
0x41: {  	_ =	shalt  }
0x42: {  	_ =	shalt  }
0x43: {  	_ =	shalt  }
0x44: {  	_ =	shalt  }
0x45: {  	_ =	shalt  }
0x46: {  	_ =	shalt  }
0x47: {  	_ =	shalt  }
0x48: {  	_ =	shalt  }
0x49: {  	_ =	shalt  }
0x4a: {  	_ =	shalt  }
0x4b: {  	_ =	shalt  }
0x4c: {  	_ =	shalt  }
0x4d: {  	_ =	shalt  }
0x4e: {  	_ =	shalt  }
0x4f: {  	_ =	shalt  }
0x50: {  	_ =	shalt  }
0x51: {  	_ =	shalt  }
0x52: {  	_ =	shalt  }
0x53: {  	_ =	shalt  }
0x54: {  	_ =	shalt  }
0x55: {  	_ =	shalt  }
0x56: {  	_ =	shalt  }
0x57: {  	_ =	shalt  }
0x58: {  	_ =	shalt  }
0x59: {  	_ =	shalt  }
0x5a: {  	_ =	shalt  }
0x5b: {  	_ =	shalt  }
0x5c: {  	_ =	shalt  }
0x5d: {  	_ =	shalt  }
0x5e: {  	_ =	shalt  }
0x5f: {  	_ =	shalt  }
0x60: {  	_ =	shalt  }
0x61: {  	_ =	shalt  }
0x62: {  	_ =	shalt  }
0x63: {  	_ =	shalt  }
0x64: {  	_ =	shalt  }
0x65: {  	_ =	shalt  }
0x66: {  	_ =	shalt  }
0x67: {  	_ =	shalt  }
0x68: {  	_ =	shalt  }
0x69: {  	_ =	shalt  }
0x6a: {  	_ =	shalt  }
0x6b: {  	_ =	shalt  }
0x6c: {  	_ =	shalt  }
0x6d: {  	_ =	shalt  }
0x6e: {  	_ =	shalt  }
0x6f: {  	_ =	shalt  }
0x70: {  	_ =	shalt  }
0x71: {  	_ =	shalt  }
0x72: {  	_ =	shalt  }
0x73: {  	_ =	shalt  }
0x74: {  	_ =	shalt  }
0x75: {  	_ =	shalt  }
0x76: {  	_ =	shalt  }
0x77: {  	_ =	shalt  }
0x78: {  	_ =	shalt  }
0x79: {  	_ =	shalt  }
0x7a: {  	_ =	shalt  }
0x7b: {  	_ =	shalt  }
0x7c: {  	_ =	shalt  }
0x7d: {  	_ =	shalt  }
0x7e: {  	_ =	shalt  }
0x7f: {  	_ =	shalt  }
0x80: {  	_ =	shalt  }
0x81: {  	_ =	shalt  }
0x82: {  	_ =	shalt  }
0x83: {  	_ =	shalt  }
0x84: {  	_ =	shalt  }
0x85: {  	_ =	shalt  }
0x86: {  	_ =	shalt  }
0x87: {  	_ =	shalt  }
.Lfunc_end0:
.L_simem_size_0:
called_computation.1_lowered:
.L_overlay_start_0:
0x88: {  	s2 =	sld [smem:$0x3FD9]  }
0x89: {  	s3 =	sld [smem:$0x3FFE];
	_ =	sdelay $0x1  }
0x8a: {  	s1 =	srdreg.scid  }
0x8b: {  	s0 =	sand.u32 $0x1, s1  }
0x8c: {  	s17 =	sshll.u32 s0, $0xA;
	s2 =	sadd.s32 s3, s2  }
0x8d: {  	s2 =	sadd.s32 s2, s17  }
0x8e: {  	[smem:$0x3FC3] =	sst s2  }
0x8f: {  	_ = 	snop  }
0x90: {  	s2 =	sld [smem:$0x3FC6];
	(tm) =	ssettm $0x1  }
0x91: {  	s18 =	sld [smem:$0x3FFB];
	_ =	sdelay $0x3  }
0x92: {  	_ =	strace s18  }
0x93: {  	s3 =	sld [smem:$0x3FFC];
	_ =	sdelay $0x3  }
0x94: {  	_ =	strace s3  }
0x95: {  	s3 =	sld [smem:$0x3FFD];
	_ =	sdelay $0x3  }
0x96: {  	_ =	strace s3  }
0x97: {  	_ =	strace $0x8FFFFFFF  }
0x98: {  	s19 =	sld [smem:$0x3FDB];
	_ =	sdelay $0x1  }
0x99: {  	s4 =	simm.s32 $_scs_section_size  }
0x9a: {  	s5 =	simm.s32 $_size__tile_overlayer_lowered;
	s6 =	simm.s32 $_tile_overlayer_lowered  }
0x9b: {  	s22 =	simm.s32 $0x1BFF;
	s21 =	sshll.u32 s6, $0x1;
	s3 =	sadd.s32 s4, s19  }
0x9c: {  	s7 =	simm.s32 $0x0;
	s20 =	sshll.u32 s5, $0x1;
	s5 =	sadd.s32 s21, s3  }
0x9d: {  	[timem:s7], [sflag:s22] =	dma.local [hbm:s5], s20  }
0x9e: {  	_ =	swait.ge [sflag:s22], s20  }
0x9f: {  	s4 =	ssub.s32 $0x0, s20;
	[sflag:s22] =	ssyncset.done $0x0  }
0xa0: {  	[sflag:s22] =	ssyncadd.s32 s4;
	_ =	sdelay $0x1  }
0xa1: {  	s23 =	simm.s32 $0x1B8B  }
0xa2: {  	_ =	swait.ge [sflag:s23], $0x1  }
0xa3: {  	[sflag:s23] =	ssyncset.done $0x0  }
0xa4: {  	s25 =	simm.s32 $0x1B8E;
	s24 =	sld [smem:$0x3FFE];
	[sflag:s23] =	ssyncadd.s32 $0xFFFFFFFF  }
0xa5: {  	s26 =	simm.s32 $execute0_lowered;
	[smem:$0x3FD2] =	sst s25  }
0xa6: {  	s5 =	sshll.u32 s26, $0x1;
	_ =	strace $0x80000049;
	[dreg:$0x1] =	wrdreg $0xFFFFFFFF  }
0xa7: {  	s28 =	simm.s32 $_size_execute0_lowered;
	s3 =	sadd.s32 s3, s5;
	[dreg:$0x0] =	wrdreg $0x0  }
0xa8: {  	s5 =	sshll.u32 s28, $0x1;
	[dreg:$0x2] =	wrdreg s3  }
0xa9: {  	[dreg:$0x3] =	wrdreg s5  }
0xaa: {  	[dreg:$0x4] =	wrdreg $0xC0  }
0xab: {  	_ =	task [dreg:s7], $0x5FFFF  }
0xac: {  	[dreg:$0x1] =	wrdreg $0xFFFFFFFF  }
0xad: {  	[dreg:$0x0] =	wrdreg $0x60  }
0xae: {  	[dreg:$0x2] =	wrdreg s2  }
0xaf: {  	[dreg:$0x3] =	wrdreg s24  }
0xb0: {  	[dreg:$0x4] =	wrdreg $0xA  }
0xb1: {  	_ =	task.clear_ibuf [dreg:s7], $0x5FFFF;
	_ =	strace $0x90000049  }
0xb2: {  	s29 =	simm.s32 $0xA;
	_ =	strace $0x8000004B  }
0xb3: {  	_ =	swait.ge [sflag:s29], $0x1  }
0xb4: {  	[sflag:s29] =	ssyncadd.s32 $0xFFFFFFFF  }
0xb5: {  	_ =	strace $0x9000004B  }
0xb6: {  	_ =	sfence  }
0xb7: {  	s30 =	sld [smem:$0x0];
	_ =	sdelay $0x2  }
0xb8: {  	s31 =	sshll.u32 s1, $0xD;
	s1 =	sshrl.u32 s1, $0x2  }
0xb9: {  	s3 =	sand.u32 $0x4000, s31;
	s1 =	sadd.s32 s1, s30  }
0xba: {  	s0 =	sor.u32 s3, s0;
	s1 =	sshll.u32 s1, $0x11  }
0xbb: {  	s0 =	sor.u32 s1, s0  }
0xbc: {  	s0 =	sadd.s32 $0x8F2B, s0  }
0xbd: {  	[sflag:s0] =	ssyncadd.remote.s32 $0x1  }
0xbe: {  	_ =	sfence.sel $0xFFFF  }
0xbf: {  	[dreg:$0x0] =	wrdreg $0xFFFFFFFF;
	(pc) =	sbr.abs _section_cstart, $3  }
0xc0: {  	[dreg:$0x1] =	wrdreg $0xFFFFFFFF  }
0xc1: {  	_ =	task.clear_ibuf [dreg:s7], $0x2FFFF;
	_ =	strace $0x9FFFFFFF  }
0xc2: {  	(tm) =	ssettm $0x7FFFFFFF  }
0xc3: {  	_ =	shalt  }
tec
execute0_lowered:
.L_overlay_start_1:
0x0: {  	(tag) =	ssettag $0x1  }
0x1: {  	s1 =	srdreg.scid;
	s2 =	rddreg [dreg:$0x0]  }
0x2: {  	s0 =	stileid.u32;
	s5 =	rddreg [dreg:$0x1];
	s6 =	simm.s32 $0x1  }
0x3: {  	s9 =	simm.s32 $0x1;
	s10 =	simm.s32 $0x3;
	s1 =	sshll.u32 s1, $0x8  }
0x4: {  	s13 =	simm.s32 $0x0;
	s3 =	sshll.u32 s0, $0x9;
	s4 =	sand.u32 $0x100, s1  }
0x5: {  	s12 =	simm.s32 $0x0;
	s1 =	rddreg [dreg:$0x2];
	s3 =	sor.u32 s3, s4  }
0x6: {  	_ =	strace $0x8000004A;
	s4 =	sadd.s32 $0x81A00, s5;
	s8 =	ssub.s32 $0x4000, s3  }
.Ltmp0:
0x7: {  	s5 =	sadd.s32 $0x82A00, s5;
	s7 =	sand.u32 $0x1F00, s8;
	(pc) =	sbr.rel .LBB2_1-.Ltmp0, $4  }
0x8: {  	[sflag:s6] =	ssyncpa.u1 $0x0;
	s11 =	smov.u32 s3;
	p0 =	sne.s32 s7, $0x0  }
0x9: {  	s8 =	sshrl.u32 s8, $0xD;
	s7 =	simm.s32 $0x2;
	s9 =	simm.s32 @!p0 $0x0  }
0xa: {  	[sflag:s7] =	ssyncpa.u1 $0x0;
	p0 =	por $0x0, $0x0;
	s8 =	sadd.s32 s9, s8  }
0xb: {  	vm0 =	vmmov $0xffff;
	[sflag:s10] =	ssyncpa.u1 $0x0;
	s10 =	simm.s32 $0x0;
	s9 =	sadd.s32 $0x1, s8  }
.LBB2_4:
0xc: {  	v2 =	vnsel vm1, $0x0, v2  }
0xd: {  	vm1 =	vgt.s32 v0, $0x0;
	v2 =	vmin.u32 v2, $0x1869F  }
0xe: {  	v0 =	vnsel vm1, $0x0, v0  }
0xf: {  	v0 =	vmin.u32 v0, $0x1869F  }
0x10: {  	[tilespmem:s15], [sflag:$0x1] =	stream.indirect_vreg.gather [hbm4b:s2+s10], $0x1, v1, vm0, $0x4038;
	[tilespmem:$0x400] =	vst v63  }
0x11: {  	(ifvalue) =	ssetifvalue $0x7FFFFFFF  }
0x12: {  	[tilespmem:s16], [sflag:$0x1] =	stream.indirect_vreg.gather [hbm4b:s2+s10], $0x1, v2, vm0, $0x4038;
	[tilespmem:$0x400] =	vst v63  }
0x13: {  	s29 =	sadd.s32 $0x10, s16;
	(ifvalue) =	ssetifvalue $0x7FFFFFFF  }
0x14: {  	[tilespmem:s29], [sflag:$0x1] =	stream.indirect_vreg.gather [hbm4b:s2+s10], $0x1, v0, vm0, $0x4038;
	[tilespmem:$0x400] =	vst v63  }
0x15: {  	_ =	swait.ge [sflag:s6], $0x100  }
0x16: {  	s30 =	sshrl.u32 s13, $0x3;
	[sflag:s6] =	ssyncset.done $0x0  }
0x17: {  	s31 =	sand.u32 $0x7, s13;
	s15 =	sadd.s32 s5, s30;
	[sflag:s6] =	ssyncadd.s32 $0xFFFFFF00  }
0x18: {  	[hbm4b:s15+s31] =	stream.linear.scatter [tilespmem:s14], [sflag:$0x3], $0x100, $0x38;
	[tilespmem:$0x400] =	vst v63  }
.LBB2_5:
0x19: {  	s15 =	sadd.s32 $0x2000, s11  }
0x1a: {  	p2 =	sgt.s32 s15, $0x3FFF  }
0x1b: {  	s15 =	smov.u32 @p2 s3;
	p2 =	sne.s32 s12, s9  }
.Ltmp1:
0x1c: {  	p1 =	slt.u32 s12, $0x2;
	(pc) =	sbr.rel @!p2 .LBB2_6-.Ltmp1, $4  }
0x1d: {  	s14 =	simm.s32 @!p1 $0x3  }
0x1e: {  	s16 =	sadd.s32 $0x1, s12;
	_ =	swait.ge @!p1 [sflag:s14], $0x100  }
0x1f: {  	s13 =	smov.u32 s11;
	p0 =	por !p0, !p0;
	[sflag:s14] =	ssyncset.done @!p1 $0x0  }
0x20: {  	s12 =	smov.u32 s16;
	s11 =	smov.u32 s15;
	[sflag:s14] =	ssyncadd.s32 @!p1 $0xFFFFFF00  }
.LBB2_1:
0x21: {  	p1 =	sge.u32 s12, s8  }
0x22: {  	s14 =	sxor.u32 @!p1 $0xFFFFFFFF, s12  }
0x23: {  	s31 =	sadd.s32 $0xFFFFFFFF, s12;
	s15 =	sshrl.u32 @!p1 s11, $0x3;
	s14 =	sshll.u32 @!p1 s14, $0x8  }
0x24: {  	s16 =	sand.u32 @!p1 $0x7, s11;
	s15 =	sadd.s32 @!p1 s4, s15;
	s14 =	sand.u32 @!p1 $0x100, s14  }
0x25: {  	[tilespmem:s14], [sflag:$0x2] =	stream.linear.gather @!p1 [hbm4b:s15+s16], $0x100, $0x38;
	[tilespmem:$0x400] =	vst v63  }
0x26: {  	p1 =	sge.u32 s31, s8  }
.Ltmp2:
0x27: {  	_ = 	snop;
	(pc) =	sbr.rel @p1 .LBB2_5-.Ltmp2, $1  }
0x28: {  	_ =	sdelay $0x3  }
0x29: {  	s14 =	simm.s32 $0x1  }
0x2a: {  	_ =	swait.ge [sflag:s7], $0x100;
	s14 =	simm.s32 @!p0 $0x0  }
0x2b: {  	[sflag:s7] =	ssyncset.done $0x0;
	s14 =	sshll.u32 s14, $0x8  }
0x2c: {  	[sflag:s7] =	ssyncadd.s32 $0xFFFFFF00;
	(ifvalue) =	ssetifvalue $0x7FFFFFFF;
	v0 =	vld.msk [tilespmem:s14+$0x0 ss:$0x1], $0xffff;
	_ =	sdelay $0x4  }
0x2d: {  	s15 =	sadd.s32 $0x10, s14;
	vm1 =	vgt.s32 v0, $0x0  }
0x2e: {  	v2 =	vld.msk [tilespmem:s15+$0x0 ss:$0x1], $0xffff;
	v1 =	vnsel vm1, $0x0, v0  }
0x2f: {  	v1 =	vmin.u32 v1, $0x1869F;
	_ =	sdelay $0x1  }
0x30: {  	s16 =	sshll.u32 s12, $0x8;
	s18 =	simm.s32 $0x20  }
0x31: {  	s16 =	sand.u32 $0x100, s16;
	s17 =	sadd.s32 $0x10, s15;
	s15 =	sor.u32 $0x200, s14  }
0x32: {  	s14 =	sor.u32 $0x200, s16;
	s16 =	sadd.s32 $0x10, s15;
	v0 =	vld.msk [tilespmem:s17+$0x0 ss:$0x1], $0xffff;
	vm1 =	vgt.s32 v2, $0x0;
	(ifvalue) =	ssetifvalue $0x7FFFFFFF  }
.LBB2_3:
0x33: {  	[tilespmem:s15], [sflag:$0x1] =	stream.indirect_vreg.gather [hbm4b:s2+s10], $0x1, v1, vm0, $0x4038;
	[tilespmem:$0x400] =	vst v63  }
0x34: {  	s18 =	sadd.s32 $0x10, s18  }
0x35: {  	v2 =	vnsel vm1, $0x0, v2;
	p1 =	slt.u32 s18, $0xF0  }
.Ltmp3:
0x36: {  	s15 =	smov.u32 s16;
	v1 =	vmin.u32 v2, $0x1869F;
	(pc) =	sbr.rel @p1 .LBB2_3-.Ltmp3, $3  }
0x37: {  	_ =	sdelay $0x1  }
0x38: {  	s17 =	sadd.s32 $0x10, s17  }
0x39: {  	vm1 =	vgt.s32 v0, $0x0;
	s16 =	sadd.s32 $0x10, s16;
	v2 =	vmov v0;
	(ifvalue) =	ssetifvalue $0x7FFFFFFF;
	v0 =	vld.msk [tilespmem:s17+$0x0 ss:$0x1], $0xffff  }
.Ltmp4:
0x3a: {  	_ = 	snop;
	(pc) =	sbr.rel .LBB2_4-.Ltmp4, $1  }
0x3b: {  	_ =	sdelay $0x3  }
.LBB2_6:
0x3c: {  	_ =	sfence.sel $0x180000  }
0x3d: {  	s2 =	simm.s32 $0x2;
	[bflag:$0x0] =	sbarrier.arrive $0xFFFF  }
0x3e: {  	s30 =	simm.s32 $0x3;
	[sflag:s2] =	ssyncpa.u1 $0x1  }
0x3f: {  	s31 =	simm.s32 $0x1;
	[sflag:s30] =	ssyncpa.u1 $0x1  }
0x40: {  	[sflag:s31] =	ssyncpa.u1 $0x1  }
0x41: {  	p0 =	sne.s32 s0, $0x0;
	_ =	strace $0x9000004A  }
0x42: {  	s0 =	sadd.s32 @!p0 $0x100000, s1;
	[bflag:$0x2] =	sbarrier.arrive $0xFFFF  }
0x43: {  	[sflag:s0] =	ssyncadd.tile.s32 @!p0 $0x1;
	_ =	shalt  }
.Lfunc_end2:
_tile_overlayer_lowered:
.L_overlay_start_2:
0x44: {  	(tag) =	ssettag $0x2  }
0x45: {  	s0 =	rddreg [dreg:$0x0];
	s2 =	stileid.u32  }
0x46: {  	s1 =	rddreg [dreg:$0x1];
	p0 =	sne.s32 s2, $0x0  }
0x47: {  	s3 =	rddreg [dreg:$0x2];
	[bflag:$0x3] =	sbarrier.arrive $0xFFFF;
	s2 =	simm.s32 @!p0 $0x1C01  }
0x48: {  	[timem:s3], [sflag:s2] =	dma.local @!p0 [hbm:s0], s1  }
0x49: {  	s0 =	simm.s32 @!p0 $0x1  }
0x4a: {  	_ =	swait.ge @!p0 [sflag:s0], s1  }
0x4b: {  	s1 =	ssub.s32 @!p0 $0x0, s1;
	[sflag:s0] =	ssyncset.done @!p0 $0x0  }
0x4c: {  	[sflag:s0] =	ssyncadd.s32 @!p0 s1  }
0x4d: {  	[bflag:$0x3] =	sbarrier.arrive $0xFFFF  }
0x4e: {  	_ =	shalt  }

// kernel: gather_offload_async_start
scs
__scs_entry_jumppad:
0x0: {  	(pc) =	sbr.rel $0x88, $3  }
0x1: {  	(tag) =	ssettag $0x0;
	lr =	simm.s32 $0x1  }
0x2: {  	[smem:$0x3F9C] =	sst lr;
	_ =	strace $0xD0000000  }
0x3: {  	_ = 	snop  }
0x4: {  	_ = 	snop  }
0x5: {  	_ = 	snop  }
0x6: {  	_ = 	snop  }
0x7: {  	_ = 	snop  }
__scs_overlays_trampoline_lowered:
0x8: {  	[smem:$0x3FAB] =	sst s0  }
0x9: {  	[smem:$0x3FAC] =	sst s1  }
0xa: {  	[smem:$0x3FAD] =	sst s2  }
0xb: {  	[smem:$0x3FAE] =	sst s3  }
0xc: {  	[smem:$0x3FAF] =	sst s4  }
0xd: {  	[smem:$0x3FB0] =	sst s5  }
0xe: {  	[smem:$0x3FB1] =	sst s6  }
0xf: {  	[smem:$0x3FB2] =	sst s7  }
0x10: {  	[smem:$0x3FB3] =	sst s8  }
0x11: {  	[smem:$0x3FB4] =	sst s9;
	s0 =	simm.s32 @!p0 $0x0  }
0x12: {  	s1 =	sld [smem:$0x3F9A];
	s0 =	simm.s32 @p0 $0x1  }
0x13: {  	[smem:$0x3FB5] =	sst s0;
	s0 =	simm.s32 @!p1 $0x0  }
0x14: {  	s2 =	sld [smem:$0x3F99];
	s0 =	simm.s32 @p1 $0x1  }
0x15: {  	[smem:$0x3FB6] =	sst s0;
	s0 =	simm.s32 @!p2 $0x0  }
0x16: {  	s3 =	sld [smem:$0x3FDB];
	s0 =	simm.s32 @p2 $0x1  }
0x17: {  	s4 =	simm.s32 $0x1BF5;
	[smem:$0x3FB8] =	sst s0  }
0x18: {  	s0 =	sld [smem:$0x3F9B];
	_ =	swait.ge [sflag:s4], $0x0  }
0x19: {  	s7 =	sld [smem:$0x3F9C]  }
0x1a: {  	s8 =	sadd.s32 $0xFFFFE003, lr  }
0x1b: {  	s9 =	sadd.s32 $0xFFFFFEF7, lr;
	s5 =	simm.s32 $0xFFFFFFFF;
	p2 =	slt.u32 s8, $0xFFFFF086  }
0x1c: {  	p1 =	slt.u32 s9, $0xF7A;
	s5 =	simm.s32 @!p2 $0x0  }
0x1d: {  	s5 =	simm.s32 @p1 $0x1;
	p0 =	seq.s32 s7, s2  }
0x1e: {  	s7 =	smul.u32 @!p0 $0xF7A, s2;
	p2 =	seq.s32 @!p0 s5, $0x0  }
0x1f: {  	s9 =	smul.u32 $0xF7A, s1;
	s8 =	simm.s32 @!p0 $0x1BF5;
	p2 =	por !p2, p0  }
0x20: {  	[sflag:s8] =	ssyncset.s32 @!p0 $0xFFFFF086;
	s6 =	sadd.s32 @!p0 s3, s7;
	s7 =	simm.s32 @!p0 $0x108  }
0x21: {  	s3 =	sadd.s32 s3, s9;
	s6 =	sadd.s32 @!p0 $0x88, s6;
	s7 =	simm.s32 @p2 $0x1082  }
0x22: {  	[simem:s7], [sflag:s8] =	dma.local @!p0 [hbm:s6], $0xF7A  }
0x23: {  	s9 =	sor.u32 $0xD0000000, s2;
	s6 =	simm.s32 $0x108;
	_ =	swait.ge @!p0 [sflag:s8], $0x0  }
0x24: {  	s3 =	sadd.s32 $0x88, s3;
	s6 =	simm.s32 @!p1 $0x1082;
	[sflag:s4] =	ssyncset.s32 $0xFFFFF086  }
0x25: {  	[simem:s6], [sflag:s4] =	dma.local [hbm:s3], $0xF7A  }
0x26: {  	[smem:$0x3F9C] =	sst s1;
	(tag) =	ssettag s2;
	_ =	strace s9  }
0x27: {  	s1 =	sld [smem:$0x3FAC]  }
0x28: {  	s2 =	sld [smem:$0x3FAD]  }
0x29: {  	s4 =	sld [smem:$0x3FAF]  }
0x2a: {  	p0 =	seq.s32 s5, $0x0;
	s5 =	sld [smem:$0x3FB0]  }
0x2b: {  	s6 =	sld [smem:$0x3FB1]  }
0x2c: {  	s7 =	sld [smem:$0x3FB2]  }
0x2d: {  	s3 =	simm.s32 $0x108;
	s8 =	sld [smem:$0x3FB3]  }
0x2e: {  	s3 =	simm.s32 @!p0 $0x1082;
	s9 =	sld [smem:$0x3FB4]  }
0x2f: {  	lr =	sadd.s32 s0, s3;
	s0 =	sld [smem:$0x3FAB]  }
0x30: {  	s3 =	sld [smem:$0x3FAE]  }
0x31: {  	[smem:$0x3FB7] =	sst s10  }
0x32: {  	s10 =	sld [smem:$0x3FB5];
	_ =	sdelay $0x3  }
0x33: {  	p0 =	seq.s32 s10, $0x1;
	s10 =	sld [smem:$0x3FB7];
	_ =	sdelay $0x3  }
0x34: {  	[smem:$0x3FB7] =	sst s10  }
0x35: {  	s10 =	sld [smem:$0x3FB6];
	_ =	sdelay $0x3  }
0x36: {  	p1 =	seq.s32 s10, $0x1;
	s10 =	sld [smem:$0x3FB7];
	_ =	sdelay $0x3  }
0x37: {  	[smem:$0x3FB7] =	sst s10  }
0x38: {  	s10 =	sld [smem:$0x3FB8]  }
0x39: {  	_ = 	snop;
	(pc) =	sbr.ind lr, $3  }
0x3a: {  	_ = 	snop  }
0x3b: {  	_ = 	snop  }
0x3c: {  	p2 =	seq.s32 s10, $0x1;
	s10 =	sld [smem:$0x3FB7]  }
0x3d: {  	_ =	shalt  }
0x3e: {  	_ =	shalt  }
0x3f: {  	_ =	shalt  }
0x40: {  	_ =	shalt  }
0x41: {  	_ =	shalt  }
0x42: {  	_ =	shalt  }
0x43: {  	_ =	shalt  }
0x44: {  	_ =	shalt  }
0x45: {  	_ =	shalt  }
0x46: {  	_ =	shalt  }
0x47: {  	_ =	shalt  }
0x48: {  	_ =	shalt  }
0x49: {  	_ =	shalt  }
0x4a: {  	_ =	shalt  }
0x4b: {  	_ =	shalt  }
0x4c: {  	_ =	shalt  }
0x4d: {  	_ =	shalt  }
0x4e: {  	_ =	shalt  }
0x4f: {  	_ =	shalt  }
0x50: {  	_ =	shalt  }
0x51: {  	_ =	shalt  }
0x52: {  	_ =	shalt  }
0x53: {  	_ =	shalt  }
0x54: {  	_ =	shalt  }
0x55: {  	_ =	shalt  }
0x56: {  	_ =	shalt  }
0x57: {  	_ =	shalt  }
0x58: {  	_ =	shalt  }
0x59: {  	_ =	shalt  }
0x5a: {  	_ =	shalt  }
0x5b: {  	_ =	shalt  }
0x5c: {  	_ =	shalt  }
0x5d: {  	_ =	shalt  }
0x5e: {  	_ =	shalt  }
0x5f: {  	_ =	shalt  }
0x60: {  	_ =	shalt  }
0x61: {  	_ =	shalt  }
0x62: {  	_ =	shalt  }
0x63: {  	_ =	shalt  }
0x64: {  	_ =	shalt  }
0x65: {  	_ =	shalt  }
0x66: {  	_ =	shalt  }
0x67: {  	_ =	shalt  }
0x68: {  	_ =	shalt  }
0x69: {  	_ =	shalt  }
0x6a: {  	_ =	shalt  }
0x6b: {  	_ =	shalt  }
0x6c: {  	_ =	shalt  }
0x6d: {  	_ =	shalt  }
0x6e: {  	_ =	shalt  }
0x6f: {  	_ =	shalt  }
0x70: {  	_ =	shalt  }
0x71: {  	_ =	shalt  }
0x72: {  	_ =	shalt  }
0x73: {  	_ =	shalt  }
0x74: {  	_ =	shalt  }
0x75: {  	_ =	shalt  }
0x76: {  	_ =	shalt  }
0x77: {  	_ =	shalt  }
0x78: {  	_ =	shalt  }
0x79: {  	_ =	shalt  }
0x7a: {  	_ =	shalt  }
0x7b: {  	_ =	shalt  }
0x7c: {  	_ =	shalt  }
0x7d: {  	_ =	shalt  }
0x7e: {  	_ =	shalt  }
0x7f: {  	_ =	shalt  }
0x80: {  	_ =	shalt  }
0x81: {  	_ =	shalt  }
0x82: {  	_ =	shalt  }
0x83: {  	_ =	shalt  }
0x84: {  	_ =	shalt  }
0x85: {  	_ =	shalt  }
0x86: {  	_ =	shalt  }
0x87: {  	_ =	shalt  }
.Lfunc_end0:
.L_simem_size_0:
called_computation_lowered:
.L_overlay_start_0:
0x88: {  	s2 =	sld [smem:$0x3FD9]  }
0x89: {  	s3 =	sld [smem:$0x3FFE];
	_ =	sdelay $0x1  }
0x8a: {  	s1 =	srdreg.scid  }
0x8b: {  	s0 =	sand.u32 $0x1, s1  }
0x8c: {  	s17 =	sshll.u32 s0, $0xA;
	s2 =	sadd.s32 s3, s2  }
0x8d: {  	s2 =	sadd.s32 s2, s17  }
0x8e: {  	[smem:$0x3FC3] =	sst s2  }
0x8f: {  	_ = 	snop  }
0x90: {  	s18 =	sld [smem:$0x3FD0];
	(tm) =	ssettm $0x1  }
0x91: {  	s19 =	sld [smem:$0x3FFB];
	_ =	sdelay $0x3  }
0x92: {  	_ =	strace s19  }
0x93: {  	s2 =	sld [smem:$0x3FFC];
	_ =	sdelay $0x3  }
0x94: {  	_ =	strace s2  }
0x95: {  	s2 =	sld [smem:$0x3FFD];
	_ =	sdelay $0x3  }
0x96: {  	_ =	strace s2  }
0x97: {  	_ =	strace $0x8FFFFFFF  }
0x98: {  	s20 =	sld [smem:$0x3FDB];
	_ =	sdelay $0x1  }
0x99: {  	s4 =	simm.s32 $_scs_section_size  }
0x9a: {  	s5 =	simm.s32 $_size__tile_overlayer_lowered;
	s6 =	simm.s32 $_tile_overlayer_lowered  }
0x9b: {  	s7 =	simm.s32 $0x1BFF;
	s21 =	sshll.u32 s6, $0x1;
	s4 =	sadd.s32 s4, s20  }
0x9c: {  	s22 =	simm.s32 $0x0;
	s5 =	sshll.u32 s5, $0x1;
	s6 =	sadd.s32 s21, s4  }
0x9d: {  	[timem:s22], [sflag:s7] =	dma.local [hbm:s6], s5  }
0x9e: {  	_ =	swait.ge [sflag:s7], s5  }
0x9f: {  	s5 =	ssub.s32 $0x0, s5;
	[sflag:s7] =	ssyncset.done $0x0  }
0xa0: {  	[sflag:s7] =	ssyncadd.s32 s5;
	_ =	sdelay $0x1  }
0xa1: {  	s23 =	simm.s32 $0x1B8B  }
0xa2: {  	_ =	swait.ge [sflag:s23], $0x1  }
0xa3: {  	[sflag:s23] =	ssyncset.done $0x0  }
0xa4: {  	[sflag:s23] =	ssyncadd.s32 $0xFFFFFFFF  }
0xa5: {  	s5 =	sld [smem:$0x0]  }
0xa6: {  	s6 =	sand.u32 $0xFFFFFFFE, s1  }
0xa7: {  	p0 =	sne.s32 s1, s6  }
0xa8: {  	s6 =	sshll.u32 @p0 s6, $0xE  }
0xa9: {  	s6 =	sadd.s32 @p0 $0x11B8D, s6;
	s7 =	sshll.u32 @p0 s5, $0x11  }
0xaa: {  	s6 =	sor.u32 @p0 s7, s6  }
0xab: {  	[sflag:s6] =	ssyncadd.remote.s32 @p0 $0x1;
	_ =	sdelay $0x1  }
0xac: {  	s6 =	simm.s32 @p0 $0x1B8D  }
0xad: {  	_ =	swait.eq @p0 [sflag:s6], $0x1  }
0xae: {  	[sflag:s6] =	ssyncadd.s32 @p0 $0xFFFFFFFF  }
0xaf: {  	s7 =	sshll.u32 @!p0 s1, $0xE  }
0xb0: {  	s7 =	sor.u32 @!p0 $0x4000, s7;
	s6 =	simm.s32 @!p0 $0x1B8D  }
0xb1: {  	s5 =	sshll.u32 @!p0 s5, $0x11;
	s7 =	sadd.s32 @!p0 $0x11B8D, s7;
	_ =	swait.eq @!p0 [sflag:s6], $0x1  }
0xb2: {  	s5 =	sor.u32 @!p0 s5, s7;
	[sflag:s6] =	ssyncadd.s32 @!p0 $0xFFFFFFFF  }
0xb3: {  	s25 =	simm.s32 $0x1B8E;
	s24 =	sld [smem:$0x3FFE];
	[sflag:s5] =	ssyncadd.remote.s32 @!p0 $0x1  }
0xb4: {  	s26 =	simm.s32 $execute0_lowered;
	[smem:$0x3FD2] =	sst s25  }
0xb5: {  	s6 =	sshll.u32 s26, $0x1;
	_ =	strace $0x8000004C;
	[dreg:$0x1] =	wrdreg $0xFFFFFFFF  }
0xb6: {  	s28 =	simm.s32 $_size_execute0_lowered;
	s4 =	sadd.s32 s4, s6;
	[dreg:$0x0] =	wrdreg $0x0  }
0xb7: {  	s6 =	sshll.u32 s28, $0x1;
	[dreg:$0x2] =	wrdreg s4  }
0xb8: {  	[dreg:$0x3] =	wrdreg s6  }
0xb9: {  	[dreg:$0x4] =	wrdreg $0xC0  }
0xba: {  	_ =	task [dreg:s22], $0x5FFFF  }
0xbb: {  	[dreg:$0x1] =	wrdreg $0xFFFFFFFF  }
0xbc: {  	[dreg:$0x0] =	wrdreg $0x60  }
0xbd: {  	[dreg:$0x2] =	wrdreg s18  }
0xbe: {  	[dreg:$0x3] =	wrdreg s24  }
0xbf: {  	[dreg:$0x4] =	wrdreg $0x9  }
0xc0: {  	_ =	task.clear_ibuf [dreg:s22], $0x5FFFF;
	_ =	strace $0x9000004C  }
0xc1: {  	s29 =	simm.s32 $0x9;
	_ =	strace $0x8000004E  }
0xc2: {  	_ =	swait.ge [sflag:s29], $0x1  }
0xc3: {  	[sflag:s29] =	ssyncadd.s32 $0xFFFFFFFF  }
0xc4: {  	_ =	strace $0x9000004E  }
0xc5: {  	_ =	sfence  }
0xc6: {  	s30 =	sld [smem:$0x0];
	_ =	sdelay $0x2  }
0xc7: {  	s31 =	sshll.u32 s1, $0xD;
	s1 =	sshrl.u32 s1, $0x2  }
0xc8: {  	s4 =	sand.u32 $0x4000, s31;
	s1 =	sadd.s32 s1, s30  }
0xc9: {  	s0 =	sor.u32 s4, s0;
	s1 =	sshll.u32 s1, $0x11  }
0xca: {  	s0 =	sor.u32 s1, s0  }
0xcb: {  	s0 =	sadd.s32 $0x8F2B, s0  }
0xcc: {  	[sflag:s0] =	ssyncadd.remote.s32 $0x1  }
0xcd: {  	_ =	sfence.sel $0xFFFF  }
0xce: {  	[dreg:$0x0] =	wrdreg $0xFFFFFFFF;
	(pc) =	sbr.abs _section_cstart, $3  }
0xcf: {  	[dreg:$0x1] =	wrdreg $0xFFFFFFFF  }
0xd0: {  	_ =	task.clear_ibuf [dreg:s22], $0x2FFFF;
	_ =	strace $0x9FFFFFFF  }
0xd1: {  	(tm) =	ssettm $0x7FFFFFFF  }
tec
execute0_lowered:
.L_overlay_start_1:
0x0: {  	(tag) =	ssettag $0x1  }
0x1: {  	s2 =	rddreg [dreg:$0x0]  }
0x2: {  	s7 =	rddreg [dreg:$0x1]  }
0x3: {  	s0 =	rddreg [dreg:$0x2]  }
0x4: {  	s1 =	srdreg.scid;
	_ =	strace $0x8000004D;
	s4 =	simm.s32 $0x1  }
0x5: {  	s9 =	simm.s32 $0x3;
	s11 =	simm.s32 $0x0;
	s5 =	sshll.u32 s1, $0x4  }
.Ltmp0:
0x6: {  	s1 =	stileid.u32;
	s5 =	sand.u32 $0x10, s5;
	(pc) =	sbr.rel .LBB2_1-.Ltmp0, $4  }
0x7: {  	p0 =	por $0x0, $0x0;
	s3 =	sadd.s32 $0x82200, s7;
	s6 =	sor.u32 s1, s5  }
0x8: {  	[sflag:s4] =	ssyncpa.u1 $0x0;
	s5 =	simm.s32 $0x2;
	s6 =	sshll.u32 s6, $0x9  }
0x9: {  	s7 =	sadd.s32 $0x83200, s7;
	[sflag:s5] =	ssyncpa.u1 $0x0;
	s8 =	sadd.s32 $0x200, s6  }
0xa: {  	vm0 =	vmmov $0xff;
	vm1 =	vcmask $0x3F20;
	[sflag:s9] =	ssyncpa.u1 $0x0;
	s10 =	smov.u32 s6;
	s9 =	simm.s32 $0x0  }
.LBB2_7:
0xb: {  	p1 =	slt.u32 s9, $0x2;
	s11 =	sadd.s32 $0x100, s10  }
0xc: {  	s13 =	smov.u32 s6;
	s9 =	sadd.s32 $0x1, s9;
	p2 =	slt.s32 s11, s8  }
0xd: {  	s13 =	smov.u32 @p2 s11;
	p2 =	sne.s32 s9, $0x4  }
.Ltmp1:
0xe: {  	_ = 	snop;
	(pc) =	sbr.rel @!p2 .LBB2_8-.Ltmp1, $4  }
0xf: {  	s12 =	simm.s32 @!p1 $0x3  }
0x10: {  	_ =	swait.ge @!p1 [sflag:s12], $0x8000  }
0x11: {  	p0 =	por !p0, !p0;
	[sflag:s12] =	ssyncset.done @!p1 $0x0  }
0x12: {  	s11 =	smov.u32 s10;
	s10 =	smov.u32 s13;
	[sflag:s12] =	ssyncadd.s32 @!p1 $0xFFFF8000  }
.LBB2_1:
0x13: {  	p1 =	sgt.u32 s9, $0x1  }
0x14: {  	s12 =	sshll.u32 @!p1 s9, $0x8;
	s13 =	sshrl.u32 @!p1 s10, $0x3  }
0x15: {  	s14 =	sand.u32 @!p1 $0x7, s10;
	s12 =	sxor.u32 @!p1 $0x100, s12;
	s13 =	sadd.s32 @!p1 s3, s13  }
0x16: {  	[tilespmem:s12], [sflag:$0x2] =	stream.linear.gather @!p1 [hbm4b:s13+s14], $0x100, $0x38;
	[tilespmem:$0x10200] =	vst v63  }
0x17: {  	p1 =	seq.s32 s9, $0x0  }
0x18: {  	p2 =	seq.s32 @!p1 s9, $0x3  }
0x19: {  	p1 =	por p1, p2  }
.Ltmp2:
0x1a: {  	_ = 	snop;
	(pc) =	sbr.rel @p1 .LBB2_7-.Ltmp2, $1  }
0x1b: {  	_ =	sdelay $0x3  }
0x1c: {  	s12 =	simm.s32 $0x1  }
0x1d: {  	_ =	swait.ge [sflag:s5], $0x100;
	s12 =	simm.s32 @!p0 $0x0  }
0x1e: {  	[sflag:s5] =	ssyncset.done $0x0;
	s14 =	sshll.u32 s12, $0x8  }
0x1f: {  	[sflag:s5] =	ssyncadd.s32 $0xFFFFFF00;
	s13 =	sadd.s32 $0x0, s14  }
0x20: {  	v0 =	vld.msk [tilespmem:s13+$0x0 ss:$0x1], $0xffff;
	_ =	sdelay $0x4  }
0x21: {  	vm2 =	vgt.s32 v0, $0x0  }
0x22: {  	v0 =	vnsel vm2, $0x0, v0  }
0x23: {  	v0 =	vmin.u32 v0, $0x1869F  }
0x24: {  	v0 =	vshll.u32 v0, $0x4;
	_ =	sdelay $0x2  }
0x25: {  	s12 =	sshll.u32 s12, $0xF  }
0x26: {  	s12 =	sor.u32 $0x200, s12  }
0x27: {  	[tilespmem:s12], [sflag:$0x1] =	stream.indirect_vreg.gather [hbm:s2], $0x80, v0, vm0, $0x38;
	[tilespmem:$0x10200] =	vst v63  }
0x28: {  	s15 =	sadd.s32 $0x10, s14;
	s13 =	sadd.s32 $0x400, s12  }
0x29: {  	[tilespmem:s13], [sflag:$0x1] =	stream.indirect_vreg.gather [hbm:s2], $0x80, v0, vm1, $0x38;
	[tilespmem:$0x10200] =	vst v63  }
0x2a: {  	s16 =	simm.s32 $0x80;
	v0 =	vld.msk [tilespmem:s15+$0x0 ss:$0x1], $0xffff;
	s15 =	smov.u32 s12  }
.LBB2_3:
0x2b: {  	p1 =	sne.s32 s16, $0x3C0;
	_ =	sdelay $0x4  }
0x2c: {  	vm2 =	vgt.s32 v0, $0x0  }
0x2d: {  	v0 =	vnsel vm2, $0x0, v0  }
0x2e: {  	v0 =	vmin.u32 v0, $0x1869F  }
0x2f: {  	v0 =	vshll.u32 v0, $0x4;
	_ =	sdelay $0x3  }
.Ltmp3:
0x30: {  	s17 =	sshra.s32 s16, $0x2;
	s15 =	sadd.s32 $0x800, s15;
	(pc) =	sbr.rel @p1 .LBB2_3-.Ltmp3, $4  }
0x31: {  	[tilespmem:s15], [sflag:$0x1] =	stream.indirect_vreg.gather [hbm:s2], $0x80, v0, vm0, $0x38;
	[tilespmem:$0x10200] =	vst v63  }
0x32: {  	s17 =	sadd.s32 s17, s14;
	s18 =	sadd.s32 $0x400, s15  }
0x33: {  	[tilespmem:s18], [sflag:$0x1] =	stream.indirect_vreg.gather [hbm:s2], $0x80, v0, vm1, $0x38;
	[tilespmem:$0x10200] =	vst v63  }
0x34: {  	s16 =	sadd.s32 $0x40, s16;
	v0 =	vld.msk [tilespmem:s17+$0x0 ss:$0x1], $0xffff  }
0x35: {  	_ =	sdelay $0x3  }
0x36: {  	vm2 =	vgt.s32 v0, $0x0  }
0x37: {  	v0 =	vnsel vm2, $0x0, v0  }
0x38: {  	v0 =	vmin.u32 v0, $0x1869F  }
0x39: {  	v0 =	vshll.u32 v0, $0x4;
	_ =	sdelay $0x3  }
0x3a: {  	s14 =	sadd.s32 $0x800, s15  }
0x3b: {  	[tilespmem:s14], [sflag:$0x1] =	stream.indirect_vreg.gather [hbm:s2], $0x80, v0, vm0, $0x38;
	[tilespmem:$0x10200] =	vst v63  }
0x3c: {  	s14 =	sadd.s32 $0x400, s14  }
0x3d: {  	[tilespmem:s14], [sflag:$0x1] =	stream.indirect_vreg.gather [hbm:s2], $0x80, v0, vm1, $0x38;
	[tilespmem:$0x10200] =	vst v63  }
0x3e: {  	s11 =	sshll.u32 s11, $0x4;
	_ =	swait.ge [sflag:s4], $0x8000  }
0x3f: {  	s11 =	sadd.s32 s11, s7;
	[sflag:s4] =	ssyncset.done $0x0  }
0x40: {  	s15 =	sadd.s32 $0x0, s11;
	s14 =	simm.s32 $0x80;
	[sflag:s4] =	ssyncadd.s32 $0xFFFF8000  }
.LBB2_5:
0x41: {  	[hbm:s15] =	stream.linear.scatter [tilespmem:s12], [sflag:$0x3], $0x400, $0x38;
	[tilespmem:$0x10200] =	vst v63  }
0x42: {  	s15 =	smov.u32 s14;
	s12 =	smov.u32 s13;
	p1 =	sne.s32 s14, $0xF80  }
.Ltmp4:
0x43: {  	s14 =	sadd.s32 $0x80, s14;
	(pc) =	sbr.rel @p1 .LBB2_5-.Ltmp4, $2  }
0x44: {  	_ =	sdelay $0x2  }
0x45: {  	s13 =	sadd.s32 $0x400, s13;
	s15 =	sadd.s32 s15, s11  }
.Ltmp5:
0x46: {  	(pc) =	sbr.rel .LBB2_7-.Ltmp5, $2  }
0x47: {  	_ =	sdelay $0x2  }
0x48: {  	[hbm:s15] =	stream.linear.scatter [tilespmem:s12], [sflag:$0x3], $0x400, $0x38;
	[tilespmem:$0x10200] =	vst v63  }
.LBB2_8:
0x49: {  	_ =	sfence.sel $0x180000  }
0x4a: {  	s2 =	simm.s32 $0x2;
	[bflag:$0x0] =	sbarrier.arrive $0xFFFF  }
0x4b: {  	s30 =	simm.s32 $0x3;
	[sflag:s2] =	ssyncpa.u1 $0x1  }
0x4c: {  	s31 =	simm.s32 $0x1;
	[sflag:s30] =	ssyncpa.u1 $0x1  }
0x4d: {  	[sflag:s31] =	ssyncpa.u1 $0x1  }
0x4e: {  	p0 =	sne.s32 s1, $0x0;
	_ =	strace $0x9000004D  }
0x4f: {  	s0 =	sadd.s32 @!p0 $0x100000, s0;
	[bflag:$0x2] =	sbarrier.arrive $0xFFFF  }
0x50: {  	[sflag:s0] =	ssyncadd.tile.s32 @!p0 $0x1;
	_ =	shalt  }
.Lfunc_end2:
_tile_overlayer_lowered:
.L_overlay_start_2:
0x51: {  	(tag) =	ssettag $0x2  }
0x52: {  	s0 =	rddreg [dreg:$0x0];
	s2 =	stileid.u32  }
0x53: {  	s1 =	rddreg [dreg:$0x1];
	p0 =	sne.s32 s2, $0x0  }
0x54: {  	s3 =	rddreg [dreg:$0x2];
	[bflag:$0x3] =	sbarrier.arrive $0xFFFF;
	s2 =	simm.s32 @!p0 $0x1C01  }
0x55: {  	[timem:s3], [sflag:s2] =	dma.local @!p0 [hbm:s0], s1  }
0x56: {  	s0 =	simm.s32 @!p0 $0x1  }
0x57: {  	_ =	swait.ge @!p0 [sflag:s0], s1  }
0x58: {  	s1 =	ssub.s32 @!p0 $0x0, s1;
	[sflag:s0] =	ssyncset.done @!p0 $0x0  }
0x59: {  	[sflag:s0] =	ssyncadd.s32 @!p0 s1  }
0x5a: {  	[bflag:$0x3] =	sbarrier.arrive $0xFFFF  }
0x5b: {  	_ =	shalt  }

// kernel: kernel.4.cloned.1.call-start
scs
__scs_entry_jumppad:
0x0: {  	(pc) =	sbr.rel $0x88, $3  }
0x1: {  	(tag) =	ssettag $0x0;
	lr =	simm.s32 $0x1  }
0x2: {  	[smem:$0x3F9C] =	sst lr;
	_ =	strace $0xD0000000  }
0x3: {  	_ = 	snop  }
0x4: {  	_ = 	snop  }
0x5: {  	_ = 	snop  }
0x6: {  	_ = 	snop  }
0x7: {  	_ = 	snop  }
__scs_overlays_trampoline_lowered:
0x8: {  	[smem:$0x3FAB] =	sst s0  }
0x9: {  	[smem:$0x3FAC] =	sst s1  }
0xa: {  	[smem:$0x3FAD] =	sst s2  }
0xb: {  	[smem:$0x3FAE] =	sst s3  }
0xc: {  	[smem:$0x3FAF] =	sst s4  }
0xd: {  	[smem:$0x3FB0] =	sst s5  }
0xe: {  	[smem:$0x3FB1] =	sst s6  }
0xf: {  	[smem:$0x3FB2] =	sst s7  }
0x10: {  	[smem:$0x3FB3] =	sst s8  }
0x11: {  	[smem:$0x3FB4] =	sst s9;
	s0 =	simm.s32 @!p0 $0x0  }
0x12: {  	s1 =	sld [smem:$0x3F9A];
	s0 =	simm.s32 @p0 $0x1  }
0x13: {  	[smem:$0x3FB5] =	sst s0;
	s0 =	simm.s32 @!p1 $0x0  }
0x14: {  	s2 =	sld [smem:$0x3F99];
	s0 =	simm.s32 @p1 $0x1  }
0x15: {  	[smem:$0x3FB6] =	sst s0;
	s0 =	simm.s32 @!p2 $0x0  }
0x16: {  	s3 =	sld [smem:$0x3FDB];
	s0 =	simm.s32 @p2 $0x1  }
0x17: {  	s4 =	simm.s32 $0x1BF5;
	[smem:$0x3FB8] =	sst s0  }
0x18: {  	s0 =	sld [smem:$0x3F9B];
	_ =	swait.ge [sflag:s4], $0x0  }
0x19: {  	s7 =	sld [smem:$0x3F9C]  }
0x1a: {  	s8 =	sadd.s32 $0xFFFFE003, lr  }
0x1b: {  	s9 =	sadd.s32 $0xFFFFFEF7, lr;
	s5 =	simm.s32 $0xFFFFFFFF;
	p2 =	slt.u32 s8, $0xFFFFF086  }
0x1c: {  	p1 =	slt.u32 s9, $0xF7A;
	s5 =	simm.s32 @!p2 $0x0  }
0x1d: {  	s5 =	simm.s32 @p1 $0x1;
	p0 =	seq.s32 s7, s2  }
0x1e: {  	s7 =	smul.u32 @!p0 $0xF7A, s2;
	p2 =	seq.s32 @!p0 s5, $0x0  }
0x1f: {  	s9 =	smul.u32 $0xF7A, s1;
	s8 =	simm.s32 @!p0 $0x1BF5;
	p2 =	por !p2, p0  }
0x20: {  	[sflag:s8] =	ssyncset.s32 @!p0 $0xFFFFF086;
	s6 =	sadd.s32 @!p0 s3, s7;
	s7 =	simm.s32 @!p0 $0x108  }
0x21: {  	s3 =	sadd.s32 s3, s9;
	s6 =	sadd.s32 @!p0 $0x88, s6;
	s7 =	simm.s32 @p2 $0x1082  }
0x22: {  	[simem:s7], [sflag:s8] =	dma.local @!p0 [hbm:s6], $0xF7A  }
0x23: {  	s9 =	sor.u32 $0xD0000000, s2;
	s6 =	simm.s32 $0x108;
	_ =	swait.ge @!p0 [sflag:s8], $0x0  }
0x24: {  	s3 =	sadd.s32 $0x88, s3;
	s6 =	simm.s32 @!p1 $0x1082;
	[sflag:s4] =	ssyncset.s32 $0xFFFFF086  }
0x25: {  	[simem:s6], [sflag:s4] =	dma.local [hbm:s3], $0xF7A  }
0x26: {  	[smem:$0x3F9C] =	sst s1;
	(tag) =	ssettag s2;
	_ =	strace s9  }
0x27: {  	s1 =	sld [smem:$0x3FAC]  }
0x28: {  	s2 =	sld [smem:$0x3FAD]  }
0x29: {  	s4 =	sld [smem:$0x3FAF]  }
0x2a: {  	p0 =	seq.s32 s5, $0x0;
	s5 =	sld [smem:$0x3FB0]  }
0x2b: {  	s6 =	sld [smem:$0x3FB1]  }
0x2c: {  	s7 =	sld [smem:$0x3FB2]  }
0x2d: {  	s3 =	simm.s32 $0x108;
	s8 =	sld [smem:$0x3FB3]  }
0x2e: {  	s3 =	simm.s32 @!p0 $0x1082;
	s9 =	sld [smem:$0x3FB4]  }
0x2f: {  	lr =	sadd.s32 s0, s3;
	s0 =	sld [smem:$0x3FAB]  }
0x30: {  	s3 =	sld [smem:$0x3FAE]  }
0x31: {  	[smem:$0x3FB7] =	sst s10  }
0x32: {  	s10 =	sld [smem:$0x3FB5];
	_ =	sdelay $0x3  }
0x33: {  	p0 =	seq.s32 s10, $0x1;
	s10 =	sld [smem:$0x3FB7];
	_ =	sdelay $0x3  }
0x34: {  	[smem:$0x3FB7] =	sst s10  }
0x35: {  	s10 =	sld [smem:$0x3FB6];
	_ =	sdelay $0x3  }
0x36: {  	p1 =	seq.s32 s10, $0x1;
	s10 =	sld [smem:$0x3FB7];
	_ =	sdelay $0x3  }
0x37: {  	[smem:$0x3FB7] =	sst s10  }
0x38: {  	s10 =	sld [smem:$0x3FB8]  }
0x39: {  	_ = 	snop;
	(pc) =	sbr.ind lr, $3  }
0x3a: {  	_ = 	snop  }
0x3b: {  	_ = 	snop  }
0x3c: {  	p2 =	seq.s32 s10, $0x1;
	s10 =	sld [smem:$0x3FB7]  }
0x3d: {  	_ =	shalt  }
0x3e: {  	_ =	shalt  }
0x3f: {  	_ =	shalt  }
0x40: {  	_ =	shalt  }
0x41: {  	_ =	shalt  }
0x42: {  	_ =	shalt  }
0x43: {  	_ =	shalt  }
0x44: {  	_ =	shalt  }
0x45: {  	_ =	shalt  }
0x46: {  	_ =	shalt  }
0x47: {  	_ =	shalt  }
0x48: {  	_ =	shalt  }
0x49: {  	_ =	shalt  }
0x4a: {  	_ =	shalt  }
0x4b: {  	_ =	shalt  }
0x4c: {  	_ =	shalt  }
0x4d: {  	_ =	shalt  }
0x4e: {  	_ =	shalt  }
0x4f: {  	_ =	shalt  }
0x50: {  	_ =	shalt  }
0x51: {  	_ =	shalt  }
0x52: {  	_ =	shalt  }
0x53: {  	_ =	shalt  }
0x54: {  	_ =	shalt  }
0x55: {  	_ =	shalt  }
0x56: {  	_ =	shalt  }
0x57: {  	_ =	shalt  }
0x58: {  	_ =	shalt  }
0x59: {  	_ =	shalt  }
0x5a: {  	_ =	shalt  }
0x5b: {  	_ =	shalt  }
0x5c: {  	_ =	shalt  }
0x5d: {  	_ =	shalt  }
0x5e: {  	_ =	shalt  }
0x5f: {  	_ =	shalt  }
0x60: {  	_ =	shalt  }
0x61: {  	_ =	shalt  }
0x62: {  	_ =	shalt  }
0x63: {  	_ =	shalt  }
0x64: {  	_ =	shalt  }
0x65: {  	_ =	shalt  }
0x66: {  	_ =	shalt  }
0x67: {  	_ =	shalt  }
0x68: {  	_ =	shalt  }
0x69: {  	_ =	shalt  }
0x6a: {  	_ =	shalt  }
0x6b: {  	_ =	shalt  }
0x6c: {  	_ =	shalt  }
0x6d: {  	_ =	shalt  }
0x6e: {  	_ =	shalt  }
0x6f: {  	_ =	shalt  }
0x70: {  	_ =	shalt  }
0x71: {  	_ =	shalt  }
0x72: {  	_ =	shalt  }
0x73: {  	_ =	shalt  }
0x74: {  	_ =	shalt  }
0x75: {  	_ =	shalt  }
0x76: {  	_ =	shalt  }
0x77: {  	_ =	shalt  }
0x78: {  	_ =	shalt  }
0x79: {  	_ =	shalt  }
0x7a: {  	_ =	shalt  }
0x7b: {  	_ =	shalt  }
0x7c: {  	_ =	shalt  }
0x7d: {  	_ =	shalt  }
0x7e: {  	_ =	shalt  }
0x7f: {  	_ =	shalt  }
0x80: {  	_ =	shalt  }
0x81: {  	_ =	shalt  }
0x82: {  	_ =	shalt  }
0x83: {  	_ =	shalt  }
0x84: {  	_ =	shalt  }
0x85: {  	_ =	shalt  }
0x86: {  	_ =	shalt  }
0x87: {  	_ =	shalt  }
.Lfunc_end0:
.L_simem_size_0:
called_computation.2_lowered:
.L_overlay_start_0:
0x88: {  	s2 =	sld [smem:$0x3FD9]  }
0x89: {  	s3 =	sld [smem:$0x3FFE];
	_ =	sdelay $0x1  }
0x8a: {  	s1 =	srdreg.scid  }
0x8b: {  	s0 =	sand.u32 $0x1, s1  }
0x8c: {  	s17 =	sshll.u32 s0, $0xA;
	s2 =	sadd.s32 s3, s2  }
0x8d: {  	s2 =	sadd.s32 s2, s17  }
0x8e: {  	[smem:$0x3FC3] =	sst s2  }
0x8f: {  	_ = 	snop  }
0x90: {  	s2 =	sld [smem:$0x3FC8]  }
0x91: {  	s18 =	sld [smem:$0x3FC7];
	(tm) =	ssettm $0x1  }
0x92: {  	s4 =	sld [smem:$0x3FFB];
	_ =	sdelay $0x3  }
0x93: {  	_ =	strace s4  }
0x94: {  	s4 =	sld [smem:$0x3FFC];
	_ =	sdelay $0x3  }
0x95: {  	_ =	strace s4  }
0x96: {  	s4 =	sld [smem:$0x3FFD];
	_ =	sdelay $0x3  }
0x97: {  	_ =	strace s4  }
0x98: {  	_ =	strace $0x8FFFFFFF  }
0x99: {  	s19 =	sld [smem:$0x3FDB];
	_ =	sdelay $0x1  }
0x9a: {  	s5 =	simm.s32 $_scs_section_size  }
0x9b: {  	s6 =	simm.s32 $_size__tile_overlayer_lowered;
	s7 =	simm.s32 $_tile_overlayer_lowered  }
0x9c: {  	s22 =	simm.s32 $0x1BFF;
	s21 =	sshll.u32 s7, $0x1;
	s4 =	sadd.s32 s5, s19  }
0x9d: {  	s8 =	simm.s32 $0x0;
	s20 =	sshll.u32 s6, $0x1;
	s6 =	sadd.s32 s21, s4  }
0x9e: {  	[timem:s8], [sflag:s22] =	dma.local [hbm:s6], s20  }
0x9f: {  	_ =	swait.ge [sflag:s22], s20  }
0xa0: {  	s5 =	ssub.s32 $0x0, s20;
	[sflag:s22] =	ssyncset.done $0x0  }
0xa1: {  	[sflag:s22] =	ssyncadd.s32 s5;
	_ =	sdelay $0x1  }
0xa2: {  	s23 =	simm.s32 $0x1B8B  }
0xa3: {  	_ =	swait.ge [sflag:s23], $0x1  }
0xa4: {  	[sflag:s23] =	ssyncset.done $0x0  }
0xa5: {  	s25 =	simm.s32 $0x1B8E;
	s24 =	sld [smem:$0x3FFE];
	[sflag:s23] =	ssyncadd.s32 $0xFFFFFFFF  }
0xa6: {  	s26 =	simm.s32 $execute0_lowered;
	[smem:$0x3FD2] =	sst s25  }
0xa7: {  	s6 =	sshll.u32 s26, $0x1;
	_ =	strace $0x80000046;
	[dreg:$0x1] =	wrdreg $0xFFFFFFFF  }
0xa8: {  	s28 =	simm.s32 $_size_execute0_lowered;
	s4 =	sadd.s32 s4, s6;
	[dreg:$0x0] =	wrdreg $0x0  }
0xa9: {  	s6 =	sshll.u32 s28, $0x1;
	[dreg:$0x2] =	wrdreg s4  }
0xaa: {  	[dreg:$0x3] =	wrdreg s6  }
0xab: {  	[dreg:$0x4] =	wrdreg $0xC0  }
0xac: {  	_ =	task [dreg:s8], $0x5FFFF  }
0xad: {  	[dreg:$0x1] =	wrdreg $0xFFFFFFFF  }
0xae: {  	[dreg:$0x0] =	wrdreg $0x60  }
0xaf: {  	[dreg:$0x2] =	wrdreg s18  }
0xb0: {  	[dreg:$0x3] =	wrdreg s2  }
0xb1: {  	[dreg:$0x4] =	wrdreg s24  }
0xb2: {  	[dreg:$0x5] =	wrdreg $0x9  }
0xb3: {  	_ =	task.clear_ibuf [dreg:s8], $0x6FFFF;
	_ =	strace $0x90000046  }
0xb4: {  	s29 =	simm.s32 $0x9;
	_ =	strace $0x80000048  }
0xb5: {  	_ =	swait.ge [sflag:s29], $0x1  }
0xb6: {  	[sflag:s29] =	ssyncadd.s32 $0xFFFFFFFF  }
0xb7: {  	_ =	strace $0x90000048  }
0xb8: {  	_ =	sfence  }
0xb9: {  	s30 =	sld [smem:$0x0];
	_ =	sdelay $0x2  }
0xba: {  	s31 =	sshll.u32 s1, $0xD;
	s1 =	sshrl.u32 s1, $0x2  }
0xbb: {  	s3 =	sand.u32 $0x4000, s31;
	s1 =	sadd.s32 s1, s30  }
0xbc: {  	s0 =	sor.u32 s3, s0;
	s1 =	sshll.u32 s1, $0x11  }
0xbd: {  	s0 =	sor.u32 s1, s0  }
0xbe: {  	s0 =	sadd.s32 $0x8F2B, s0  }
0xbf: {  	[sflag:s0] =	ssyncadd.remote.s32 $0x1  }
0xc0: {  	_ =	sfence.sel $0xFFFF  }
0xc1: {  	[dreg:$0x0] =	wrdreg $0xFFFFFFFF;
	(pc) =	sbr.abs _section_cstart, $3  }
0xc2: {  	[dreg:$0x1] =	wrdreg $0xFFFFFFFF  }
0xc3: {  	_ =	task.clear_ibuf [dreg:s8], $0x2FFFF;
	_ =	strace $0x9FFFFFFF  }
0xc4: {  	(tm) =	ssettm $0x7FFFFFFF  }
0xc5: {  	_ =	shalt  }
tec
execute0_lowered:
.L_overlay_start_1:
0x0: {  	(tag) =	ssettag $0x1  }
0x1: {  	s1 =	rddreg [dreg:$0x0]  }
0x2: {  	s0 =	srdreg.scid;
	s2 =	rddreg [dreg:$0x1]  }
0x3: {  	s3 =	stileid.u32;
	s4 =	rddreg [dreg:$0x2]  }
0x4: {  	s13 =	simm.s32 $0x3;
	s14 =	simm.s32 $0x2;
	s15 =	simm.s32 $0x4  }
0x5: {  	s17 =	simm.s32 $0xA00;
	s18 =	simm.s32 $0x1200;
	s19 =	simm.s32 $0x1A00  }
0x6: {  	s20 =	simm.s32 $0x2200;
	s21 =	simm.s32 $0x2A00;
	s28 =	simm.s32 $0x5200  }
0x7: {  	s29 =	simm.s32 $0x5A00;
	s30 =	simm.s32 $0x6200;
	s31 =	simm.s32 $0x6A00  }
0x8: {  	s12 =	simm.s32 $0x8200;
	s7 =	simm.s32 $0x8A00;
	s8 =	simm.s32 $0x9200  }
0x9: {  	s9 =	simm.s32 $0x9A00;
	s10 =	simm.s32 $0xA200;
	s0 =	sand.u32 $0x1, s0  }
0xa: {  	s5 =	sshll.u32 s3, $0xA;
	s3 =	simm.s32 $0x0;
	s6 =	sshll.u32 s0, $0x9  }
0xb: {  	s11 =	simm.s32 $0xAA00;
	[smem:$0x7FF] =	sst s3;
	s5 =	sor.u32 s6, s5  }
0xc: {  	s0 =	ssub.s32 $0x2, s0;
	s6 =	sshll.u32 s5, $0x5;
	s5 =	sshrl.u32 s5, $0x3  }
0xd: {  	_ =	strace $0x80000047;
	s4 =	sadd.s32 s6, s4;
	s2 =	sadd.s32 s2, s5  }
0xe: {  	s24 =	sshrl.u32 s0, $0x1;
	[dreg:$0x4] =	wrdreg s2;
	s22 =	sadd.s32 $0x1800, s4  }
0xf: {  	s0 =	ssub.s32 s0, s24;
	s23 =	sadd.s32 $0x2800, s4;
	[dreg:$0x5] =	wrdreg s22  }
0x10: {  	s24 =	simm.s32 $0x3A00;
	s25 =	sadd.s32 $0x3800, s4;
	[dreg:$0x6] =	wrdreg s23  }
0x11: {  	v2 =	vlaneseq.u32;
	s5 =	simm.s32 $0x1;
	s26 =	sadd.s32 $0x4800, s4;
	[dreg:$0x7] =	wrdreg s25  }
0x12: {  	vm0 =	vmmov $0xffff;
	v1 =	vshrl.u32 v2, $0x3;
	s4 =	smax.u32 s0, $0x1;
	s2 =	simm.s32 $0x7200;
	[dreg:$0x8] =	wrdreg s26  }
0x13: {  	v0 =	vand.u32 $0x7, v2;
	v2 =	vor.u32 $0x8, v2;
	v1 =	vmul.u32 $0x8, v1;
	s23 =	simm.s32 $0x3200;
	s25 =	simm.s32 $0x4200;
	s26 =	simm.s32 $0x4A00  }
.LBB2_1:
0x14: {  	s16 =	rddreg [dreg:$0x4];
	s0 =	simm.s32 $0x5  }
0x15: {  	[tilespmem:s3], [sflag:$0x5] =	stream.linear.gather [hbm4b:s16+s3], $0x200, $0x38;
	[tilespmem:$0x10200] =	vst v63  }
0x16: {  	_ =	swait.ge [sflag:s0], $0x200  }
0x17: {  	[sflag:s0] =	ssyncset.done $0x0  }
0x18: {  	[sflag:s0] =	ssyncadd.s32 $0xFFFFFE00  }
0x19: {  	v3 =	vld [tilespmem:$0x0];
	_ =	sdelay $0x4  }
0x1a: {  	v4 =	vshll.u32 v3, $0x1  }
0x1b: {  	v3 =	vand.u32 $0x7, v3;
	v4 =	vand.u32 $0xFFFFFFF0, v4  }
0x1c: {  	v3 =	vor.u32 v3, v4  }
0x1d: {  	v4 =	vperm.xlane v3, v0;
	_ =	sdelay $0x1  }
0x1e: {  	v3 =	vperm.xlane v3, v2;
	v4 =	vadd.s32 v1, v4;
	_ =	sdelay $0x1  }
0x1f: {  	v3 =	vadd.s32 v1, v3;
	_ =	sdelay $0x1  }
0x20: {  	s16 =	simm.s32 $0x200  }
0x21: {  	[tilespmem:s16], [sflag:$0x1] =	stream.indirect_vreg.gather [hbm4b:s1+s3], $0x80, v4, vm0, $0xb8;
	[tilespmem:$0x10200] =	vst v63  }
0x22: {  	_ = 	snop  }
0x23: {  	[tilespmem:s17], [sflag:$0x1] =	stream.indirect_vreg.gather [hbm4b:s1+s3], $0x80, v3, vm0, $0xb8;
	[tilespmem:$0x10200] =	vst v63  }
0x24: {  	v3 =	vld [tilespmem:$0x10];
	_ =	sdelay $0x4  }
0x25: {  	v33 =	vshll.u32 v3, $0x1  }
0x26: {  	v3 =	vand.u32 $0x7, v3;
	v4 =	vand.u32 $0xFFFFFFF0, v33  }
0x27: {  	v3 =	vor.u32 v3, v4  }
0x28: {  	v4 =	vperm.xlane v3, v0;
	_ =	sdelay $0x1  }
0x29: {  	v3 =	vperm.xlane v3, v2;
	v4 =	vadd.s32 v1, v4;
	_ =	sdelay $0x1  }
0x2a: {  	v3 =	vadd.s32 v1, v3;
	_ =	sdelay $0x2  }
0x2b: {  	[tilespmem:s18], [sflag:$0x1] =	stream.indirect_vreg.gather [hbm4b:s1+s3], $0x80, v4, vm0, $0xb8;
	[tilespmem:$0x10200] =	vst v63  }
0x2c: {  	_ = 	snop  }
0x2d: {  	[tilespmem:s19], [sflag:$0x1] =	stream.indirect_vreg.gather [hbm4b:s1+s3], $0x80, v3, vm0, $0xb8;
	[tilespmem:$0x10200] =	vst v63  }
0x2e: {  	v3 =	vld [tilespmem:$0x20];
	_ =	sdelay $0x4  }
0x2f: {  	v34 =	vshll.u32 v3, $0x1  }
0x30: {  	v3 =	vand.u32 $0x7, v3;
	v4 =	vand.u32 $0xFFFFFFF0, v34  }
0x31: {  	v3 =	vor.u32 v3, v4  }
0x32: {  	v4 =	vperm.xlane v3, v0;
	_ =	sdelay $0x1  }
0x33: {  	v3 =	vperm.xlane v3, v2;
	v4 =	vadd.s32 v1, v4;
	_ =	sdelay $0x1  }
0x34: {  	v3 =	vadd.s32 v1, v3;
	_ =	sdelay $0x2  }
0x35: {  	[tilespmem:s20], [sflag:$0x1] =	stream.indirect_vreg.gather [hbm4b:s1+s3], $0x80, v4, vm0, $0xb8;
	[tilespmem:$0x10200] =	vst v63  }
0x36: {  	_ = 	snop  }
0x37: {  	[tilespmem:s21], [sflag:$0x1] =	stream.indirect_vreg.gather [hbm4b:s1+s3], $0x80, v3, vm0, $0xb8;
	[tilespmem:$0x10200] =	vst v63  }
0x38: {  	v3 =	vld [tilespmem:$0x30];
	_ =	sdelay $0x4  }
0x39: {  	v35 =	vshll.u32 v3, $0x1  }
0x3a: {  	v3 =	vand.u32 $0x7, v3;
	v4 =	vand.u32 $0xFFFFFFF0, v35  }
0x3b: {  	v3 =	vor.u32 v3, v4  }
0x3c: {  	v4 =	vperm.xlane v3, v0;
	_ =	sdelay $0x1  }
0x3d: {  	v3 =	vperm.xlane v3, v2;
	v4 =	vadd.s32 v1, v4;
	_ =	sdelay $0x1  }
0x3e: {  	v3 =	vadd.s32 v1, v3;
	_ =	sdelay $0x2  }
0x3f: {  	[tilespmem:s23], [sflag:$0x1] =	stream.indirect_vreg.gather [hbm4b:s1+s3], $0x80, v4, vm0, $0xb8;
	[tilespmem:$0x10200] =	vst v63  }
0x40: {  	_ = 	snop  }
0x41: {  	[tilespmem:s24], [sflag:$0x1] =	stream.indirect_vreg.gather [hbm4b:s1+s3], $0x80, v3, vm0, $0xb8;
	[tilespmem:$0x10200] =	vst v63  }
0x42: {  	v3 =	vld [tilespmem:$0x40];
	_ =	sdelay $0x4  }
0x43: {  	v36 =	vshll.u32 v3, $0x1  }
0x44: {  	v3 =	vand.u32 $0x7, v3;
	v4 =	vand.u32 $0xFFFFFFF0, v36  }
0x45: {  	v3 =	vor.u32 v3, v4  }
0x46: {  	v4 =	vperm.xlane v3, v0;
	_ =	sdelay $0x1  }
0x47: {  	v3 =	vperm.xlane v3, v2;
	v4 =	vadd.s32 v1, v4;
	_ =	sdelay $0x1  }
0x48: {  	v3 =	vadd.s32 v1, v3;
	_ =	sdelay $0x2  }
0x49: {  	[tilespmem:s25], [sflag:$0x1] =	stream.indirect_vreg.gather [hbm4b:s1+s3], $0x80, v4, vm0, $0xb8;
	[tilespmem:$0x10200] =	vst v63  }
0x4a: {  	_ = 	snop  }
0x4b: {  	[tilespmem:s26], [sflag:$0x1] =	stream.indirect_vreg.gather [hbm4b:s1+s3], $0x80, v3, vm0, $0xb8;
	[tilespmem:$0x10200] =	vst v63  }
0x4c: {  	v3 =	vld [tilespmem:$0x50];
	_ =	sdelay $0x4  }
0x4d: {  	v37 =	vshll.u32 v3, $0x1  }
0x4e: {  	v3 =	vand.u32 $0x7, v3;
	v4 =	vand.u32 $0xFFFFFFF0, v37  }
0x4f: {  	v3 =	vor.u32 v3, v4  }
0x50: {  	v4 =	vperm.xlane v3, v0;
	_ =	sdelay $0x1  }
0x51: {  	v3 =	vperm.xlane v3, v2;
	v4 =	vadd.s32 v1, v4;
	_ =	sdelay $0x1  }
0x52: {  	v3 =	vadd.s32 v1, v3;
	_ =	sdelay $0x2  }
0x53: {  	[tilespmem:s28], [sflag:$0x1] =	stream.indirect_vreg.gather [hbm4b:s1+s3], $0x80, v4, vm0, $0xb8;
	[tilespmem:$0x10200] =	vst v63  }
0x54: {  	_ = 	snop  }
0x55: {  	[tilespmem:s29], [sflag:$0x1] =	stream.indirect_vreg.gather [hbm4b:s1+s3], $0x80, v3, vm0, $0xb8;
	[tilespmem:$0x10200] =	vst v63  }
0x56: {  	v3 =	vld [tilespmem:$0x60];
	_ =	sdelay $0x4  }
0x57: {  	v38 =	vshll.u32 v3, $0x1  }
0x58: {  	v3 =	vand.u32 $0x7, v3;
	v4 =	vand.u32 $0xFFFFFFF0, v38  }
0x59: {  	v3 =	vor.u32 v3, v4  }
0x5a: {  	v4 =	vperm.xlane v3, v0;
	_ =	sdelay $0x1  }
0x5b: {  	v3 =	vperm.xlane v3, v2;
	v4 =	vadd.s32 v1, v4;
	_ =	sdelay $0x1  }
0x5c: {  	v3 =	vadd.s32 v1, v3;
	_ =	sdelay $0x2  }
0x5d: {  	[tilespmem:s30], [sflag:$0x1] =	stream.indirect_vreg.gather [hbm4b:s1+s3], $0x80, v4, vm0, $0xb8;
	[tilespmem:$0x10200] =	vst v63  }
0x5e: {  	_ = 	snop  }
0x5f: {  	[tilespmem:s31], [sflag:$0x1] =	stream.indirect_vreg.gather [hbm4b:s1+s3], $0x80, v3, vm0, $0xb8;
	[tilespmem:$0x10200] =	vst v63  }
0x60: {  	v3 =	vld [tilespmem:$0x70];
	_ =	sdelay $0x4  }
0x61: {  	v39 =	vshll.u32 v3, $0x1  }
0x62: {  	v3 =	vand.u32 $0x7, v3;
	v4 =	vand.u32 $0xFFFFFFF0, v39  }
0x63: {  	v3 =	vor.u32 v3, v4  }
0x64: {  	v4 =	vperm.xlane v3, v0;
	_ =	sdelay $0x1  }
0x65: {  	v3 =	vperm.xlane v3, v2;
	v4 =	vadd.s32 v1, v4;
	_ =	sdelay $0x1  }
0x66: {  	v3 =	vadd.s32 v1, v3;
	_ =	sdelay $0x2  }
0x67: {  	[tilespmem:s2], [sflag:$0x1] =	stream.indirect_vreg.gather [hbm4b:s1+s3], $0x80, v4, vm0, $0xb8;
	[tilespmem:$0x10200] =	vst v63  }
0x68: {  	s0 =	simm.s32 $0x7A00  }
0x69: {  	[tilespmem:s0], [sflag:$0x1] =	stream.indirect_vreg.gather [hbm4b:s1+s3], $0x80, v3, vm0, $0xb8;
	[tilespmem:$0x10200] =	vst v63  }
0x6a: {  	v3 =	vld [tilespmem:$0x80];
	_ =	sdelay $0x4  }
0x6b: {  	v40 =	vshll.u32 v3, $0x1  }
0x6c: {  	v3 =	vand.u32 $0x7, v3;
	v4 =	vand.u32 $0xFFFFFFF0, v40  }
0x6d: {  	v3 =	vor.u32 v3, v4  }
0x6e: {  	v4 =	vperm.xlane v3, v0;
	_ =	sdelay $0x1  }
0x6f: {  	v3 =	vperm.xlane v3, v2;
	v4 =	vadd.s32 v1, v4;
	_ =	sdelay $0x1  }
0x70: {  	v3 =	vadd.s32 v1, v3;
	_ =	sdelay $0x2  }
0x71: {  	[tilespmem:s12], [sflag:$0x2] =	stream.indirect_vreg.gather [hbm4b:s1+s3], $0x80, v4, vm0, $0xb8;
	[tilespmem:$0x10200] =	vst v63  }
0x72: {  	_ = 	snop  }
0x73: {  	[tilespmem:s7], [sflag:$0x2] =	stream.indirect_vreg.gather [hbm4b:s1+s3], $0x80, v3, vm0, $0xb8;
	[tilespmem:$0x10200] =	vst v63  }
0x74: {  	v3 =	vld [tilespmem:$0x90];
	_ =	sdelay $0x4  }
0x75: {  	v41 =	vshll.u32 v3, $0x1  }
0x76: {  	v3 =	vand.u32 $0x7, v3;
	v4 =	vand.u32 $0xFFFFFFF0, v41  }
0x77: {  	v3 =	vor.u32 v3, v4  }
0x78: {  	v4 =	vperm.xlane v3, v0;
	_ =	sdelay $0x1  }
0x79: {  	v3 =	vperm.xlane v3, v2;
	v4 =	vadd.s32 v1, v4;
	_ =	sdelay $0x1  }
0x7a: {  	v3 =	vadd.s32 v1, v3;
	_ =	sdelay $0x2  }
0x7b: {  	[tilespmem:s8], [sflag:$0x2] =	stream.indirect_vreg.gather [hbm4b:s1+s3], $0x80, v4, vm0, $0xb8;
	[tilespmem:$0x10200] =	vst v63  }
0x7c: {  	_ = 	snop  }
0x7d: {  	[tilespmem:s9], [sflag:$0x2] =	stream.indirect_vreg.gather [hbm4b:s1+s3], $0x80, v3, vm0, $0xb8;
	[tilespmem:$0x10200] =	vst v63  }
0x7e: {  	v3 =	vld [tilespmem:$0xA0];
	_ =	sdelay $0x4  }
0x7f: {  	v42 =	vshll.u32 v3, $0x1  }
0x80: {  	v3 =	vand.u32 $0x7, v3;
	v4 =	vand.u32 $0xFFFFFFF0, v42  }
0x81: {  	v3 =	vor.u32 v3, v4  }
0x82: {  	v4 =	vperm.xlane v3, v0;
	_ =	sdelay $0x1  }
0x83: {  	v3 =	vperm.xlane v3, v2;
	v4 =	vadd.s32 v1, v4;
	_ =	sdelay $0x1  }
0x84: {  	v3 =	vadd.s32 v1, v3;
	_ =	sdelay $0x2  }
0x85: {  	[tilespmem:s10], [sflag:$0x2] =	stream.indirect_vreg.gather [hbm4b:s1+s3], $0x80, v4, vm0, $0xb8;
	[tilespmem:$0x10200] =	vst v63  }
0x86: {  	_ = 	snop  }
0x87: {  	[tilespmem:s11], [sflag:$0x2] =	stream.indirect_vreg.gather [hbm4b:s1+s3], $0x80, v3, vm0, $0xb8;
	[tilespmem:$0x10200] =	vst v63  }
0x88: {  	v3 =	vld [tilespmem:$0xB0];
	_ =	sdelay $0x4  }
0x89: {  	v43 =	vshll.u32 v3, $0x1  }
0x8a: {  	v3 =	vand.u32 $0x7, v3;
	v4 =	vand.u32 $0xFFFFFFF0, v43  }
0x8b: {  	v3 =	vor.u32 v3, v4  }
0x8c: {  	v4 =	vperm.xlane v3, v0;
	_ =	sdelay $0x1  }
0x8d: {  	v3 =	vperm.xlane v3, v2;
	v4 =	vadd.s32 v1, v4;
	_ =	sdelay $0x1  }
0x8e: {  	v3 =	vadd.s32 v1, v3;
	_ =	sdelay $0x1  }
0x8f: {  	s6 =	simm.s32 $0xB200  }
0x90: {  	[tilespmem:s6], [sflag:$0x2] =	stream.indirect_vreg.gather [hbm4b:s1+s3], $0x80, v4, vm0, $0xb8;
	[tilespmem:$0x10200] =	vst v63  }
0x91: {  	s6 =	simm.s32 $0xBA00  }
0x92: {  	[tilespmem:s6], [sflag:$0x2] =	stream.indirect_vreg.gather [hbm4b:s1+s3], $0x80, v3, vm0, $0xb8;
	[tilespmem:$0x10200] =	vst v63  }
0x93: {  	v3 =	vld [tilespmem:$0xC0];
	_ =	sdelay $0x4  }
0x94: {  	v44 =	vshll.u32 v3, $0x1  }
0x95: {  	v3 =	vand.u32 $0x7, v3;
	v4 =	vand.u32 $0xFFFFFFF0, v44  }
0x96: {  	v3 =	vor.u32 v3, v4  }
0x97: {  	v4 =	vperm.xlane v3, v0;
	_ =	sdelay $0x1  }
0x98: {  	v3 =	vperm.xlane v3, v2;
	v4 =	vadd.s32 v1, v4;
	_ =	sdelay $0x1  }
0x99: {  	v3 =	vadd.s32 v1, v3;
	_ =	sdelay $0x1  }
0x9a: {  	s22 =	simm.s32 $0xC200  }
0x9b: {  	[tilespmem:s22], [sflag:$0x2] =	stream.indirect_vreg.gather [hbm4b:s1+s3], $0x80, v4, vm0, $0xb8;
	[tilespmem:$0x10200] =	vst v63  }
0x9c: {  	s22 =	simm.s32 $0xCA00  }
0x9d: {  	[tilespmem:s22], [sflag:$0x2] =	stream.indirect_vreg.gather [hbm4b:s1+s3], $0x80, v3, vm0, $0xb8;
	[tilespmem:$0x10200] =	vst v63  }
0x9e: {  	v3 =	vld [tilespmem:$0xD0];
	_ =	sdelay $0x4  }
0x9f: {  	v45 =	vshll.u32 v3, $0x1  }
0xa0: {  	v3 =	vand.u32 $0x7, v3;
	v4 =	vand.u32 $0xFFFFFFF0, v45  }
0xa1: {  	v3 =	vor.u32 v3, v4  }
0xa2: {  	v4 =	vperm.xlane v3, v0;
	_ =	sdelay $0x1  }
0xa3: {  	v3 =	vperm.xlane v3, v2;
	v4 =	vadd.s32 v1, v4;
	_ =	sdelay $0x1  }
0xa4: {  	v3 =	vadd.s32 v1, v3;
	_ =	sdelay $0x1  }
0xa5: {  	s22 =	simm.s32 $0xD200  }
0xa6: {  	[tilespmem:s22], [sflag:$0x2] =	stream.indirect_vreg.gather [hbm4b:s1+s3], $0x80, v4, vm0, $0xb8;
	[tilespmem:$0x10200] =	vst v63  }
0xa7: {  	s22 =	simm.s32 $0xDA00  }
0xa8: {  	[tilespmem:s22], [sflag:$0x2] =	stream.indirect_vreg.gather [hbm4b:s1+s3], $0x80, v3, vm0, $0xb8;
	[tilespmem:$0x10200] =	vst v63  }
0xa9: {  	v3 =	vld [tilespmem:$0xE0];
	_ =	sdelay $0x4  }
0xaa: {  	v46 =	vshll.u32 v3, $0x1  }
0xab: {  	v3 =	vand.u32 $0x7, v3;
	v4 =	vand.u32 $0xFFFFFFF0, v46  }
0xac: {  	v3 =	vor.u32 v3, v4  }
0xad: {  	v4 =	vperm.xlane v3, v0;
	_ =	sdelay $0x1  }
0xae: {  	v3 =	vperm.xlane v3, v2;
	v4 =	vadd.s32 v1, v4;
	_ =	sdelay $0x1  }
0xaf: {  	v3 =	vadd.s32 v1, v3;
	_ =	sdelay $0x1  }
0xb0: {  	s22 =	simm.s32 $0xE200  }
0xb1: {  	[tilespmem:s22], [sflag:$0x2] =	stream.indirect_vreg.gather [hbm4b:s1+s3], $0x80, v4, vm0, $0xb8;
	[tilespmem:$0x10200] =	vst v63  }
0xb2: {  	s22 =	simm.s32 $0xEA00  }
0xb3: {  	[tilespmem:s22], [sflag:$0x2] =	stream.indirect_vreg.gather [hbm4b:s1+s3], $0x80, v3, vm0, $0xb8;
	[tilespmem:$0x10200] =	vst v63  }
0xb4: {  	v3 =	vld [tilespmem:$0xF0];
	_ =	sdelay $0x4  }
0xb5: {  	v47 =	vshll.u32 v3, $0x1  }
0xb6: {  	v3 =	vand.u32 $0x7, v3;
	v4 =	vand.u32 $0xFFFFFFF0, v47  }
0xb7: {  	v3 =	vor.u32 v3, v4  }
0xb8: {  	v4 =	vperm.xlane v3, v0;
	_ =	sdelay $0x1  }
0xb9: {  	v3 =	vperm.xlane v3, v2;
	v4 =	vadd.s32 v1, v4;
	_ =	sdelay $0x1  }
0xba: {  	v3 =	vadd.s32 v1, v3;
	_ =	sdelay $0x1  }
0xbb: {  	s22 =	simm.s32 $0xF200  }
0xbc: {  	[tilespmem:s22], [sflag:$0x2] =	stream.indirect_vreg.gather [hbm4b:s1+s3], $0x80, v4, vm0, $0xb8;
	[tilespmem:$0x10200] =	vst v63  }
0xbd: {  	s22 =	simm.s32 $0xFA00  }
0xbe: {  	[tilespmem:s22], [sflag:$0x2] =	stream.indirect_vreg.gather [hbm4b:s1+s3], $0x80, v3, vm0, $0xb8;
	[tilespmem:$0x10200] =	vst v63  }
0xbf: {  	_ =	swait.ge [sflag:s5], $0x8000  }
0xc0: {  	[sflag:s5] =	ssyncset.done $0x0  }
0xc1: {  	s22 =	simm.s32 $0x200;
	s16 =	rddreg [dreg:$0x5];
	[sflag:s5] =	ssyncadd.s32 $0xFFFF8000  }
0xc2: {  	[hbm4b:s16+s3] =	stream.linear.scatter [tilespmem:s22], [sflag:$0x3], $0x8000, $0x38;
	[tilespmem:$0x10200] =	vst v63  }
0xc3: {  	_ =	swait.ge [sflag:s13], $0x8000  }
0xc4: {  	[sflag:s13] =	ssyncset.done $0x0  }
0xc5: {  	[sflag:s13] =	ssyncadd.s32 $0xFFFF8000  }
0xc6: {  	v3 =	vld [tilespmem:$0x100];
	_ =	sdelay $0x4  }
0xc7: {  	v48 =	vshll.u32 v3, $0x1  }
0xc8: {  	v3 =	vand.u32 $0x7, v3;
	v4 =	vand.u32 $0xFFFFFFF0, v48  }
0xc9: {  	v3 =	vor.u32 v3, v4  }
0xca: {  	v4 =	vperm.xlane v3, v0;
	_ =	sdelay $0x1  }
0xcb: {  	v3 =	vperm.xlane v3, v2;
	v4 =	vadd.s32 v1, v4;
	_ =	sdelay $0x1  }
0xcc: {  	v3 =	vadd.s32 v1, v3;
	_ =	sdelay $0x2  }
0xcd: {  	[tilespmem:s22], [sflag:$0x1] =	stream.indirect_vreg.gather [hbm4b:s1+s3], $0x80, v4, vm0, $0xb8;
	[tilespmem:$0x10200] =	vst v63  }
0xce: {  	_ = 	snop  }
0xcf: {  	[tilespmem:s17], [sflag:$0x1] =	stream.indirect_vreg.gather [hbm4b:s1+s3], $0x80, v3, vm0, $0xb8;
	[tilespmem:$0x10200] =	vst v63  }
0xd0: {  	v3 =	vld [tilespmem:$0x110];
	_ =	sdelay $0x4  }
0xd1: {  	v49 =	vshll.u32 v3, $0x1  }
0xd2: {  	v3 =	vand.u32 $0x7, v3;
	v4 =	vand.u32 $0xFFFFFFF0, v49  }
0xd3: {  	v3 =	vor.u32 v3, v4  }
0xd4: {  	v4 =	vperm.xlane v3, v0;
	_ =	sdelay $0x1  }
0xd5: {  	v3 =	vperm.xlane v3, v2;
	v4 =	vadd.s32 v1, v4;
	_ =	sdelay $0x1  }
0xd6: {  	v3 =	vadd.s32 v1, v3;
	_ =	sdelay $0x2  }
0xd7: {  	[tilespmem:s18], [sflag:$0x1] =	stream.indirect_vreg.gather [hbm4b:s1+s3], $0x80, v4, vm0, $0xb8;
	[tilespmem:$0x10200] =	vst v63  }
0xd8: {  	_ = 	snop  }
0xd9: {  	[tilespmem:s19], [sflag:$0x1] =	stream.indirect_vreg.gather [hbm4b:s1+s3], $0x80, v3, vm0, $0xb8;
	[tilespmem:$0x10200] =	vst v63  }
0xda: {  	v3 =	vld [tilespmem:$0x120];
	_ =	sdelay $0x4  }
0xdb: {  	v50 =	vshll.u32 v3, $0x1  }
0xdc: {  	v3 =	vand.u32 $0x7, v3;
	v4 =	vand.u32 $0xFFFFFFF0, v50  }
0xdd: {  	v3 =	vor.u32 v3, v4  }
0xde: {  	v4 =	vperm.xlane v3, v0;
	_ =	sdelay $0x1  }
0xdf: {  	v3 =	vperm.xlane v3, v2;
	v4 =	vadd.s32 v1, v4;
	_ =	sdelay $0x1  }
0xe0: {  	v3 =	vadd.s32 v1, v3;
	_ =	sdelay $0x2  }
0xe1: {  	[tilespmem:s20], [sflag:$0x1] =	stream.indirect_vreg.gather [hbm4b:s1+s3], $0x80, v4, vm0, $0xb8;
	[tilespmem:$0x10200] =	vst v63  }
0xe2: {  	_ = 	snop  }
0xe3: {  	[tilespmem:s21], [sflag:$0x1] =	stream.indirect_vreg.gather [hbm4b:s1+s3], $0x80, v3, vm0, $0xb8;
	[tilespmem:$0x10200] =	vst v63  }
0xe4: {  	v3 =	vld [tilespmem:$0x130];
	_ =	sdelay $0x4  }
0xe5: {  	v51 =	vshll.u32 v3, $0x1  }
0xe6: {  	v3 =	vand.u32 $0x7, v3;
	v4 =	vand.u32 $0xFFFFFFF0, v51  }
0xe7: {  	v3 =	vor.u32 v3, v4  }
0xe8: {  	v4 =	vperm.xlane v3, v0;
	_ =	sdelay $0x1  }
0xe9: {  	v3 =	vperm.xlane v3, v2;
	v4 =	vadd.s32 v1, v4;
	_ =	sdelay $0x1  }
0xea: {  	v3 =	vadd.s32 v1, v3;
	_ =	sdelay $0x2  }
0xeb: {  	[tilespmem:s23], [sflag:$0x1] =	stream.indirect_vreg.gather [hbm4b:s1+s3], $0x80, v4, vm0, $0xb8;
	[tilespmem:$0x10200] =	vst v63  }
0xec: {  	_ = 	snop  }
0xed: {  	[tilespmem:s24], [sflag:$0x1] =	stream.indirect_vreg.gather [hbm4b:s1+s3], $0x80, v3, vm0, $0xb8;
	[tilespmem:$0x10200] =	vst v63  }
0xee: {  	v3 =	vld [tilespmem:$0x140];
	_ =	sdelay $0x4  }
0xef: {  	v52 =	vshll.u32 v3, $0x1  }
0xf0: {  	v3 =	vand.u32 $0x7, v3;
	v4 =	vand.u32 $0xFFFFFFF0, v52  }
0xf1: {  	v3 =	vor.u32 v3, v4  }
0xf2: {  	v4 =	vperm.xlane v3, v0;
	_ =	sdelay $0x1  }
0xf3: {  	v3 =	vperm.xlane v3, v2;
	v4 =	vadd.s32 v1, v4;
	_ =	sdelay $0x1  }
0xf4: {  	v3 =	vadd.s32 v1, v3;
	_ =	sdelay $0x2  }
0xf5: {  	[tilespmem:s25], [sflag:$0x1] =	stream.indirect_vreg.gather [hbm4b:s1+s3], $0x80, v4, vm0, $0xb8;
	[tilespmem:$0x10200] =	vst v63  }
0xf6: {  	_ = 	snop  }
0xf7: {  	[tilespmem:s26], [sflag:$0x1] =	stream.indirect_vreg.gather [hbm4b:s1+s3], $0x80, v3, vm0, $0xb8;
	[tilespmem:$0x10200] =	vst v63  }
0xf8: {  	v3 =	vld [tilespmem:$0x150];
	_ =	sdelay $0x4  }
0xf9: {  	v53 =	vshll.u32 v3, $0x1  }
0xfa: {  	v3 =	vand.u32 $0x7, v3;
	v4 =	vand.u32 $0xFFFFFFF0, v53  }
0xfb: {  	v3 =	vor.u32 v3, v4  }
0xfc: {  	v4 =	vperm.xlane v3, v0;
	_ =	sdelay $0x1  }
0xfd: {  	v3 =	vperm.xlane v3, v2;
	v4 =	vadd.s32 v1, v4;
	_ =	sdelay $0x1  }
0xfe: {  	v3 =	vadd.s32 v1, v3;
	_ =	sdelay $0x2  }
0xff: {  	[tilespmem:s28], [sflag:$0x1] =	stream.indirect_vreg.gather [hbm4b:s1+s3], $0x80, v4, vm0, $0xb8;
	[tilespmem:$0x10200] =	vst v63  }
0x100: {  	_ = 	snop  }
0x101: {  	[tilespmem:s29], [sflag:$0x1] =	stream.indirect_vreg.gather [hbm4b:s1+s3], $0x80, v3, vm0, $0xb8;
	[tilespmem:$0x10200] =	vst v63  }
0x102: {  	v3 =	vld [tilespmem:$0x160];
	_ =	sdelay $0x4  }
0x103: {  	v54 =	vshll.u32 v3, $0x1  }
0x104: {  	v3 =	vand.u32 $0x7, v3;
	v4 =	vand.u32 $0xFFFFFFF0, v54  }
0x105: {  	v3 =	vor.u32 v3, v4  }
0x106: {  	v4 =	vperm.xlane v3, v0;
	_ =	sdelay $0x1  }
0x107: {  	v3 =	vperm.xlane v3, v2;
	v4 =	vadd.s32 v1, v4;
	_ =	sdelay $0x1  }
0x108: {  	v3 =	vadd.s32 v1, v3;
	_ =	sdelay $0x2  }
0x109: {  	[tilespmem:s30], [sflag:$0x1] =	stream.indirect_vreg.gather [hbm4b:s1+s3], $0x80, v4, vm0, $0xb8;
	[tilespmem:$0x10200] =	vst v63  }
0x10a: {  	_ = 	snop  }
0x10b: {  	[tilespmem:s31], [sflag:$0x1] =	stream.indirect_vreg.gather [hbm4b:s1+s3], $0x80, v3, vm0, $0xb8;
	[tilespmem:$0x10200] =	vst v63  }
0x10c: {  	v3 =	vld [tilespmem:$0x170];
	_ =	sdelay $0x4  }
0x10d: {  	v55 =	vshll.u32 v3, $0x1  }
0x10e: {  	v3 =	vand.u32 $0x7, v3;
	v4 =	vand.u32 $0xFFFFFFF0, v55  }
0x10f: {  	v3 =	vor.u32 v3, v4  }
0x110: {  	v4 =	vperm.xlane v3, v0;
	_ =	sdelay $0x1  }
0x111: {  	v3 =	vperm.xlane v3, v2;
	v4 =	vadd.s32 v1, v4;
	_ =	sdelay $0x1  }
0x112: {  	v3 =	vadd.s32 v1, v3;
	_ =	sdelay $0x2  }
0x113: {  	[tilespmem:s2], [sflag:$0x1] =	stream.indirect_vreg.gather [hbm4b:s1+s3], $0x80, v4, vm0, $0xb8;
	[tilespmem:$0x10200] =	vst v63  }
0x114: {  	_ = 	snop  }
0x115: {  	[tilespmem:s0], [sflag:$0x1] =	stream.indirect_vreg.gather [hbm4b:s1+s3], $0x80, v3, vm0, $0xb8;
	[tilespmem:$0x10200] =	vst v63  }
0x116: {  	_ =	swait.ge [sflag:s14], $0x8000  }
0x117: {  	[sflag:s14] =	ssyncset.done $0x0  }
0x118: {  	s0 =	rddreg [dreg:$0x6];
	[sflag:s14] =	ssyncadd.s32 $0xFFFF8000  }
0x119: {  	[hbm4b:s0+s3] =	stream.linear.scatter [tilespmem:s12], [sflag:$0x4], $0x8000, $0x38;
	[tilespmem:$0x10200] =	vst v63  }
0x11a: {  	_ =	swait.ge [sflag:s15], $0x8000  }
0x11b: {  	[sflag:s15] =	ssyncset.done $0x0  }
0x11c: {  	[sflag:s15] =	ssyncadd.s32 $0xFFFF8000  }
0x11d: {  	v3 =	vld [tilespmem:$0x180];
	_ =	sdelay $0x4  }
0x11e: {  	v56 =	vshll.u32 v3, $0x1  }
0x11f: {  	v3 =	vand.u32 $0x7, v3;
	v4 =	vand.u32 $0xFFFFFFF0, v56  }
0x120: {  	v3 =	vor.u32 v3, v4  }
0x121: {  	v4 =	vperm.xlane v3, v0;
	_ =	sdelay $0x1  }
0x122: {  	v3 =	vperm.xlane v3, v2;
	v4 =	vadd.s32 v1, v4;
	_ =	sdelay $0x1  }
0x123: {  	v3 =	vadd.s32 v1, v3;
	_ =	sdelay $0x2  }
0x124: {  	[tilespmem:s12], [sflag:$0x2] =	stream.indirect_vreg.gather [hbm4b:s1+s3], $0x80, v4, vm0, $0xb8;
	[tilespmem:$0x10200] =	vst v63  }
0x125: {  	_ = 	snop  }
0x126: {  	[tilespmem:s7], [sflag:$0x2] =	stream.indirect_vreg.gather [hbm4b:s1+s3], $0x80, v3, vm0, $0xb8;
	[tilespmem:$0x10200] =	vst v63  }
0x127: {  	v3 =	vld [tilespmem:$0x190];
	_ =	sdelay $0x4  }
0x128: {  	v57 =	vshll.u32 v3, $0x1  }
0x129: {  	v3 =	vand.u32 $0x7, v3;
	v4 =	vand.u32 $0xFFFFFFF0, v57  }
0x12a: {  	v3 =	vor.u32 v3, v4  }
0x12b: {  	v4 =	vperm.xlane v3, v0;
	_ =	sdelay $0x1  }
0x12c: {  	v3 =	vperm.xlane v3, v2;
	v4 =	vadd.s32 v1, v4;
	_ =	sdelay $0x1  }
0x12d: {  	v3 =	vadd.s32 v1, v3;
	_ =	sdelay $0x2  }
0x12e: {  	[tilespmem:s8], [sflag:$0x2] =	stream.indirect_vreg.gather [hbm4b:s1+s3], $0x80, v4, vm0, $0xb8;
	[tilespmem:$0x10200] =	vst v63  }
0x12f: {  	_ = 	snop  }
0x130: {  	[tilespmem:s9], [sflag:$0x2] =	stream.indirect_vreg.gather [hbm4b:s1+s3], $0x80, v3, vm0, $0xb8;
	[tilespmem:$0x10200] =	vst v63  }
0x131: {  	v3 =	vld [tilespmem:$0x1A0];
	_ =	sdelay $0x4  }
0x132: {  	v58 =	vshll.u32 v3, $0x1  }
0x133: {  	v3 =	vand.u32 $0x7, v3;
	v4 =	vand.u32 $0xFFFFFFF0, v58  }
0x134: {  	v3 =	vor.u32 v3, v4  }
0x135: {  	v4 =	vperm.xlane v3, v0;
	_ =	sdelay $0x1  }
0x136: {  	v3 =	vperm.xlane v3, v2;
	v4 =	vadd.s32 v1, v4;
	_ =	sdelay $0x1  }
0x137: {  	v3 =	vadd.s32 v1, v3;
	_ =	sdelay $0x2  }
0x138: {  	[tilespmem:s10], [sflag:$0x2] =	stream.indirect_vreg.gather [hbm4b:s1+s3], $0x80, v4, vm0, $0xb8;
	[tilespmem:$0x10200] =	vst v63  }
0x139: {  	_ = 	snop  }
0x13a: {  	[tilespmem:s11], [sflag:$0x2] =	stream.indirect_vreg.gather [hbm4b:s1+s3], $0x80, v3, vm0, $0xb8;
	[tilespmem:$0x10200] =	vst v63  }
0x13b: {  	v3 =	vld [tilespmem:$0x1B0];
	_ =	sdelay $0x4  }
0x13c: {  	v59 =	vshll.u32 v3, $0x1  }
0x13d: {  	v3 =	vand.u32 $0x7, v3;
	v4 =	vand.u32 $0xFFFFFFF0, v59  }
0x13e: {  	v3 =	vor.u32 v3, v4  }
0x13f: {  	v4 =	vperm.xlane v3, v0;
	_ =	sdelay $0x1  }
0x140: {  	v3 =	vperm.xlane v3, v2;
	v4 =	vadd.s32 v1, v4;
	_ =	sdelay $0x1  }
0x141: {  	v3 =	vadd.s32 v1, v3;
	_ =	sdelay $0x1  }
0x142: {  	s16 =	simm.s32 $0xB200  }
0x143: {  	[tilespmem:s16], [sflag:$0x2] =	stream.indirect_vreg.gather [hbm4b:s1+s3], $0x80, v4, vm0, $0xb8;
	[tilespmem:$0x10200] =	vst v63  }
0x144: {  	_ = 	snop  }
0x145: {  	[tilespmem:s6], [sflag:$0x2] =	stream.indirect_vreg.gather [hbm4b:s1+s3], $0x80, v3, vm0, $0xb8;
	[tilespmem:$0x10200] =	vst v63  }
0x146: {  	v3 =	vld [tilespmem:$0x1C0];
	_ =	sdelay $0x4  }
0x147: {  	v60 =	vshll.u32 v3, $0x1  }
0x148: {  	v3 =	vand.u32 $0x7, v3;
	v4 =	vand.u32 $0xFFFFFFF0, v60  }
0x149: {  	v3 =	vor.u32 v3, v4  }
0x14a: {  	v4 =	vperm.xlane v3, v0;
	_ =	sdelay $0x1  }
0x14b: {  	v3 =	vperm.xlane v3, v2;
	v4 =	vadd.s32 v1, v4;
	_ =	sdelay $0x1  }
0x14c: {  	v3 =	vadd.s32 v1, v3;
	_ =	sdelay $0x1  }
0x14d: {  	s6 =	simm.s32 $0xC200  }
0x14e: {  	[tilespmem:s6], [sflag:$0x2] =	stream.indirect_vreg.gather [hbm4b:s1+s3], $0x80, v4, vm0, $0xb8;
	[tilespmem:$0x10200] =	vst v63  }
0x14f: {  	s16 =	simm.s32 $0xCA00  }
0x150: {  	[tilespmem:s16], [sflag:$0x2] =	stream.indirect_vreg.gather [hbm4b:s1+s3], $0x80, v3, vm0, $0xb8;
	[tilespmem:$0x10200] =	vst v63  }
0x151: {  	v3 =	vld [tilespmem:$0x1D0];
	_ =	sdelay $0x4  }
0x152: {  	v61 =	vshll.u32 v3, $0x1  }
0x153: {  	v3 =	vand.u32 $0x7, v3;
	v4 =	vand.u32 $0xFFFFFFF0, v61  }
0x154: {  	v3 =	vor.u32 v3, v4  }
0x155: {  	v4 =	vperm.xlane v3, v0;
	_ =	sdelay $0x1  }
0x156: {  	v3 =	vperm.xlane v3, v2;
	v4 =	vadd.s32 v1, v4;
	_ =	sdelay $0x1  }
0x157: {  	v3 =	vadd.s32 v1, v3;
	_ =	sdelay $0x1  }
0x158: {  	s6 =	simm.s32 $0xD200  }
0x159: {  	[tilespmem:s6], [sflag:$0x2] =	stream.indirect_vreg.gather [hbm4b:s1+s3], $0x80, v4, vm0, $0xb8;
	[tilespmem:$0x10200] =	vst v63  }
0x15a: {  	s16 =	simm.s32 $0xDA00  }
0x15b: {  	[tilespmem:s16], [sflag:$0x2] =	stream.indirect_vreg.gather [hbm4b:s1+s3], $0x80, v3, vm0, $0xb8;
	[tilespmem:$0x10200] =	vst v63  }
0x15c: {  	v3 =	vld [tilespmem:$0x1E0];
	_ =	sdelay $0x4  }
0x15d: {  	v62 =	vshll.u32 v3, $0x1  }
0x15e: {  	v3 =	vand.u32 $0x7, v3;
	v4 =	vand.u32 $0xFFFFFFF0, v62  }
0x15f: {  	v3 =	vor.u32 v3, v4  }
0x160: {  	v4 =	vperm.xlane v3, v0;
	_ =	sdelay $0x1  }
0x161: {  	v3 =	vperm.xlane v3, v2;
	v4 =	vadd.s32 v1, v4;
	_ =	sdelay $0x1  }
0x162: {  	v3 =	vadd.s32 v1, v3;
	_ =	sdelay $0x1  }
0x163: {  	s6 =	simm.s32 $0xE200  }
0x164: {  	[tilespmem:s6], [sflag:$0x2] =	stream.indirect_vreg.gather [hbm4b:s1+s3], $0x80, v4, vm0, $0xb8;
	[tilespmem:$0x10200] =	vst v63  }
0x165: {  	s16 =	simm.s32 $0xEA00  }
0x166: {  	[tilespmem:s16], [sflag:$0x2] =	stream.indirect_vreg.gather [hbm4b:s1+s3], $0x80, v3, vm0, $0xb8;
	[tilespmem:$0x10200] =	vst v63  }
0x167: {  	v3 =	vld [tilespmem:$0x1F0];
	_ =	sdelay $0x4  }
0x168: {  	v63 =	vshll.u32 v3, $0x1  }
0x169: {  	v3 =	vand.u32 $0x7, v3;
	v4 =	vand.u32 $0xFFFFFFF0, v63  }
0x16a: {  	v3 =	vor.u32 v3, v4  }
0x16b: {  	v4 =	vperm.xlane v3, v0;
	_ =	sdelay $0x1  }
0x16c: {  	v3 =	vperm.xlane v3, v2;
	v4 =	vadd.s32 v1, v4;
	_ =	sdelay $0x1  }
0x16d: {  	v3 =	vadd.s32 v1, v3;
	_ =	sdelay $0x1  }
0x16e: {  	s6 =	simm.s32 $0xF200  }
0x16f: {  	[tilespmem:s6], [sflag:$0x2] =	stream.indirect_vreg.gather [hbm4b:s1+s3], $0x80, v4, vm0, $0xb8;
	[tilespmem:$0x10200] =	vst v63  }
0x170: {  	s16 =	simm.s32 $0xFA00  }
0x171: {  	[tilespmem:s16], [sflag:$0x2] =	stream.indirect_vreg.gather [hbm4b:s1+s3], $0x80, v3, vm0, $0xb8;
	[tilespmem:$0x10200] =	vst v63  }
0x172: {  	_ =	swait.ge [sflag:s5], $0x8000  }
0x173: {  	[sflag:s5] =	ssyncset.done $0x0  }
0x174: {  	s22 =	simm.s32 $0x200;
	s6 =	rddreg [dreg:$0x7];
	[sflag:s5] =	ssyncadd.s32 $0xFFFF8000  }
0x175: {  	[hbm4b:s6+s3] =	stream.linear.scatter [tilespmem:s22], [sflag:$0x3], $0x8000, $0x38;
	[tilespmem:$0x10200] =	vst v63  }
0x176: {  	_ =	swait.ge [sflag:s14], $0x8000  }
0x177: {  	[sflag:s14] =	ssyncset.done $0x0  }
0x178: {  	s22 =	rddreg [dreg:$0x8];
	[sflag:s14] =	ssyncadd.s32 $0xFFFF8000  }
0x179: {  	[hbm4b:s22+s3] =	stream.linear.scatter [tilespmem:s12], [sflag:$0x4], $0x8000, $0x38;
	[tilespmem:$0x10200] =	vst v63  }
0x17a: {  	p0 =	sne.s32 s4, $0x1;
	_ =	swait.ge [sflag:s13], $0x8000  }
.Ltmp0:
0x17b: {  	[sflag:s13] =	ssyncset.done $0x0;
	(pc) =	sbr.rel @p0 .LBB2_1-.Ltmp0, $4  }
0x17c: {  	[sflag:s13] =	ssyncadd.s32 $0xFFFF8000  }
0x17d: {  	_ =	swait.ge [sflag:s15], $0x8000  }
0x17e: {  	[sflag:s15] =	ssyncset.done $0x0  }
0x17f: {  	s4 =	sadd.s32 $0xFFFFFFFF, s4;
	[sflag:s15] =	ssyncadd.s32 $0xFFFF8000  }
0x180: {  	_ =	sfence.sel $0x180000  }
0x181: {  	[bflag:$0x0] =	sbarrier.arrive $0xFFFF  }
0x182: {  	_ =	strace $0x90000047  }
0x183: {  	s0 =	stileid.u32;
	[bflag:$0x2] =	sbarrier.arrive $0xFFFF  }
0x184: {  	p0 =	sne.s32 s0, $0x0;
	s0 =	rddreg [dreg:$0x3]  }
0x185: {  	s0 =	sadd.s32 @!p0 $0x100000, s0  }
0x186: {  	[sflag:s0] =	ssyncadd.tile.s32 @!p0 $0x1;
	_ =	shalt  }
.Lfunc_end2:
_tile_overlayer_lowered:
.L_overlay_start_2:
0x187: {  	(tag) =	ssettag $0x2  }
0x188: {  	s0 =	rddreg [dreg:$0x0];
	s2 =	stileid.u32  }
0x189: {  	s1 =	rddreg [dreg:$0x1];
	p0 =	sne.s32 s2, $0x0  }
0x18a: {  	s3 =	rddreg [dreg:$0x2];
	[bflag:$0x3] =	sbarrier.arrive $0xFFFF;
	s2 =	simm.s32 @!p0 $0x1C05  }
0x18b: {  	[timem:s3], [sflag:s2] =	dma.local @!p0 [hbm:s0], s1  }
0x18c: {  	s0 =	simm.s32 @!p0 $0x5  }
0x18d: {  	_ =	swait.ge @!p0 [sflag:s0], s1  }
0x18e: {  	s1 =	ssub.s32 @!p0 $0x0, s1;
	[sflag:s0] =	ssyncset.done @!p0 $0x0  }
0x18f: {  	[sflag:s0] =	ssyncadd.s32 @!p0 s1  }
0x190: {  	[bflag:$0x3] =	sbarrier.arrive $0xFFFF  }
0x191: {  	_ =	shalt  }

</sc_bundles>
